<compile_context>
chip_gen: v7x
topology: tpu7x:2x2x1
jax: 0.10.2.dev20260603
libtpu: 0.0.44.dev20260713+nightly
codegen_flags: <defaults>
</compile_context>

<pallas_src>
import functools

import jax
import jax.numpy as jnp
import numpy as np
from jax import lax
from jax.experimental import pallas as pl
from jax.experimental.pallas import tpu as pltpu
from jax.experimental.pallas import tpu_sc as plsc

N = 10000
D = 128
NC = 2
NS = 16
NW = NC * NS
NPAD = 10240
RPT = NPAD // NS
CH = 128
BLK = 2000

_mesh = plsc.VectorSubcoreMesh(core_axis_name="c", subcore_axis_name="s")


def _make_deg_kernel(nch):
    @functools.partial(
        pl.kernel,
        mesh=_mesh,
        out_type=jax.ShapeDtypeStruct((NC, NPAD), jnp.float32),
        scratch_types=[
            pltpu.VMEM((nch, CH), jnp.int32),
            pltpu.VMEM((CH,), jnp.float32),
            pltpu.VMEM((RPT,), jnp.float32),
            pltpu.VMEM_SHARED((NPAD,), jnp.float32),
            pltpu.SemaphoreType.DMA,
        ],
    )
    def deg_kernel(row_hbm, deg_hbm, idx_v, ones_v, zer_v, deg_sh, sem):
        c = lax.axis_index("c")
        s = lax.axis_index("s")
        wid = c * NS + s

        iload = pltpu.make_async_copy(
            row_hbm.at[pl.ds(wid * nch, nch)], idx_v, sem)
        iload.start()

        @pl.loop(0, CH, step=16)
        def _(i):
            ones_v[pl.ds(i, 16)] = jnp.full((16,), 1.0, dtype=jnp.float32)

        @pl.loop(0, RPT, step=16)
        def _(i):
            zer_v[pl.ds(i, 16)] = jnp.zeros((16,), dtype=jnp.float32)

        iload.wait()
        pltpu.sync_copy(zer_v, deg_sh.at[pl.ds(s * RPT, RPT)])
        plsc.subcore_barrier()

        @pl.loop(0, nch, step=16)
        def _(j):
            for t in range(16):
                pltpu.make_async_copy(
                    ones_v, deg_sh.at[idx_v.at[j + t]], sem).start(add=True)
            for t in range(16):
                pltpu.make_async_copy(
                    ones_v, deg_sh.at[idx_v.at[j + t]], sem).wait()

        plsc.subcore_barrier()
        pltpu.sync_copy(deg_sh.at[pl.ds(s * RPT, RPT)],
                        deg_hbm.at[c, pl.ds(s * RPT, RPT)])

    return deg_kernel


def _make_spmm_kernel(nch):
    nh = nch // 2

    @functools.partial(
        pl.kernel,
        mesh=_mesh,
        out_type=jax.ShapeDtypeStruct((NC, NPAD, D), jnp.float32),
        scratch_types=[
            pltpu.VMEM((nh, CH), jnp.int32),
            pltpu.VMEM((nh, CH), jnp.int32),
            pltpu.VMEM((CH, D), jnp.float32),
            pltpu.VMEM((CH, D), jnp.float32),
            pltpu.VMEM_SHARED((NPAD, D), jnp.float32),
            pltpu.SemaphoreType.DMA,
            pltpu.SemaphoreType.DMA,
            pltpu.SemaphoreType.DMA,
            pltpu.SemaphoreType.DMA,
        ],
    )
    def spmm_kernel(g_hbm, col_hbm, row_hbm, acc_hbm,
                    col_v, row_v, b0, b1, acc_sh,
                    gs0, gs1, ss0, ss1):
        c = lax.axis_index("c")
        s = lax.axis_index("s")
        wid = c * NS + s

        ic0 = pltpu.make_async_copy(
            col_hbm.at[pl.ds(wid * nch, nh)], col_v, ss0)
        ir0 = pltpu.make_async_copy(
            row_hbm.at[pl.ds(wid * nch, nh)], row_v, ss1)
        ic0.start()
        ir0.start()

        @pl.loop(0, 16)
        def _(r):
            @pl.loop(0, D, step=16)
            def _(j):
                b0[r, pl.ds(j, 16)] = jnp.zeros((16,), dtype=jnp.float32)

        zsrc = b0.at[pl.ds(0, 16)]

        @pl.loop(0, RPT, step=8 * 16)
        def _(r0):
            for t in range(8):
                pltpu.make_async_copy(
                    zsrc, acc_sh.at[pl.ds(s * RPT + r0 + t * 16, 16)],
                    gs0).start()
            for t in range(8):
                pltpu.make_async_copy(
                    zsrc, acc_sh.at[pl.ds(s * RPT + r0 + t * 16, 16)],
                    gs0).wait()

        plsc.subcore_barrier()

        def gather(j, buf, sem):
            return pltpu.make_async_copy(g_hbm.at[col_v.at[j]], buf, sem)

        def scatter(j, buf, sem):
            return pltpu.make_async_copy(buf, acc_sh.at[row_v.at[j]], sem)

        def process_half(h):
            base = wid * nch + h * nh
            if h == 0:
                ic0.wait()
                ir0.wait()
            else:
                pltpu.sync_copy(col_hbm.at[pl.ds(base, nh)], col_v)
                pltpu.sync_copy(row_hbm.at[pl.ds(base, nh)], row_v)

            gather(0, b0, gs0).start()
            gather(1, b1, gs1).start()

            @pl.loop(0, nh - 2, step=2)
            def _(j):
                gather(j, b0, gs0).wait()
                scatter(j, b0, ss0).start(add=True)
                gather(j + 1, b1, gs1).wait()
                scatter(j + 1, b1, ss1).start(add=True)
                scatter(j, b0, ss0).wait()
                gather(j + 2, b0, gs0).start()
                scatter(j + 1, b1, ss1).wait()
                gather(j + 3, b1, gs1).start()

            jl = nh - 2
            gather(jl, b0, gs0).wait()
            scatter(jl, b0, ss0).start(add=True)
            gather(jl + 1, b1, gs1).wait()
            scatter(jl + 1, b1, ss1).start(add=True)
            scatter(jl, b0, ss0).wait()
            scatter(jl + 1, b1, ss1).wait()

        process_half(0)
        process_half(1)

        plsc.subcore_barrier()
        pltpu.sync_copy(acc_sh.at[pl.ds(s * RPT, RPT)],
                        acc_hbm.at[c, pl.ds(s * RPT, RPT)])

    return spmm_kernel


def _tc_linear_body(x_ref, degs_ref, w_ref, b_ref, g_ref):
    h = lax.dot_general(
        x_ref[...], w_ref[...], (((1,), (1,)), ((), ())),
        preferred_element_type=jnp.float32) + b_ref[...]
    degs = degs_ref[...]
    deg = degs[:, 0] + degs[:, 1] + 1.0
    dis = lax.rsqrt(deg)
    g_ref[...] = h * dis[:, None]


def _tc_final_body(accs_ref, degs_ref, g_ref, out_ref):
    acc = accs_ref[0] + accs_ref[1]
    degs = degs_ref[...]
    deg = degs[:, 0] + degs[:, 1] + 1.0
    dis = lax.rsqrt(deg)
    out_ref[...] = jnp.maximum((acc + g_ref[...]) * dis[:, None], 0.0)


def kernel(x, edge_index, W, b):
    e = edge_index.shape[1]
    nch = -(-(-(-e // CH) // NW) // 16) * 16
    e_pad = NW * nch * CH
    pad = e_pad - e

    row = edge_index[0]
    col = edge_index[1]
    if pad:
        pidx = np.arange(pad, dtype=np.int32)
        row = jnp.concatenate([row, jnp.asarray(N + (pidx % (NPAD - N)))])
        col = jnp.concatenate([col, jnp.asarray(pidx % N)])
    row2 = row.reshape(-1, CH)
    col2 = col.reshape(-1, CH)

    deg_parts = _make_deg_kernel(nch)(row2)
    deg_t = deg_parts.T

    g = pl.pallas_call(
        _tc_linear_body,
        grid=(N // BLK,),
        in_specs=[
            pl.BlockSpec((BLK, D), lambda i: (i, 0)),
            pl.BlockSpec((BLK, NC), lambda i: (i, 0)),
            pl.BlockSpec((D, D), lambda i: (0, 0)),
            pl.BlockSpec((1, D), lambda i: (0, 0)),
        ],
        out_specs=pl.BlockSpec((BLK, D), lambda i: (i, 0)),
        out_shape=jax.ShapeDtypeStruct((N, D), jnp.float32),
    )(x, deg_t, W, b.reshape(1, D))

    accs = _make_spmm_kernel(nch)(g, col2, row2)

    out = pl.pallas_call(
        _tc_final_body,
        grid=(N // BLK,),
        in_specs=[
            pl.BlockSpec((NC, BLK, D), lambda i: (0, i, 0)),
            pl.BlockSpec((BLK, NC), lambda i: (i, 0)),
            pl.BlockSpec((BLK, D), lambda i: (i, 0)),
        ],
        out_specs=pl.BlockSpec((BLK, D), lambda i: (i, 0)),
        out_shape=jax.ShapeDtypeStruct((N, D), jnp.float32),
    )(accs, deg_t, g)

    return out

# --- scband reference (transcript-rebuilt; emitter-appended) ---
"""Pipeline reference for scband-graph-conv-88364657147964 (READ-ONLY COPY).

The authoritative reference and input builder live on the scoring server;
editing this copy changes nothing except your own understanding.
"""

import jax, jax.numpy as jnp
import numpy as np

N = 10000
D = 128
E = 320000


def setup_inputs(seed: int = 0) -> dict:
    key = jax.random.key(seed)
    k1, k2, k3, k4 = jax.random.split(key, 4)
    x = jax.random.normal(k1, (N, D), dtype=jnp.float32)
    edge_index = jax.random.randint(k2, (2, E), 0, N, dtype=jnp.int32)
    # nn.Linear(in=128, out=128, bias=True) parameters
    W = jax.random.normal(k3, (D, D), dtype=jnp.float32) * (1.0 / np.sqrt(D))
    b = jax.random.normal(k4, (D,), dtype=jnp.float32) * 0.01
    return {"x": x, "edge_index": edge_index, "W": W, "b": b}


def reference(x, edge_index, W, b):
    # dropout p=0 -> identity
    h = x @ W.T + b  # nn.Linear
    row = edge_index[0]
    col = edge_index[1]
    # A[0,0]==0 for random graph -> add self loops (mx + I), matching laplacian()
    loop = jnp.arange(N, dtype=row.dtype)
    row = jnp.concatenate([row, loop])
    col = jnp.concatenate([col, loop])
    vals = jnp.ones(row.shape[0], dtype=h.dtype)
    # degree = row sums of (A + I); L = D^-0.5 (A+I) D^-0.5 (Normalized-Laplacian kernel)
    deg = jax.ops.segment_sum(vals, row, num_segments=N)
    d_inv_sqrt = jnp.power(deg, -0.5)
    w = d_inv_sqrt[row] * d_inv_sqrt[col]
    # spmm: out[i] = sum_e w_e * h[col_e] for edges with row_e == i
    out = jax.ops.segment_sum(w[:, None] * h[col], row, num_segments=N)
    return jax.nn.relu(out)

if __name__ == "__main__":
    import jax
    _d = setup_inputs()
    print(jax.jit(kernel)(*tuple(_d.values())))

</pallas_src>

<mosaic_0001>
#map = affine_map<(d0, d1) -> (0, 0)>
module attributes {stable_mosaic.version = 14 : i64} {
  func.func @deg_kernel(%arg0: i32, %arg1: i32, %arg2: memref<2560x128xi32, #tpu.memory_space<hbm>>, %arg3: memref<2x10240xf32, #tpu.memory_space<hbm>>, %arg4: memref<80x128xi32, #tpu.memory_space<vmem>>, %arg5: memref<128xf32, #tpu.memory_space<vmem>>, %arg6: memref<640xf32, #tpu.memory_space<vmem>>, %arg7: memref<10240xf32, #tpu.memory_space<vmem_shared>>, %arg8: memref<!tpu.dma_semaphore, #tpu.memory_space<semaphore_mem>>) attributes {dimension_semantics = [#tpu.dimension_semantics<core_parallel>, #tpu.dimension_semantics<subcore_parallel>], iteration_bounds = array<i64: 2, 16>, scalar_prefetch = 0 : i64, scratch_operands = 5 : i64, tpu.core_type = #tpu.core_type<sc_vector_subcore>, window_params = [{transform_indices = #map}, {transform_indices = #map}]} {
    %mul3A = arith.constant 16 : i32
    %mul3A_0 = arith.muli %arg0, %mul3A : i32
    %add3A = arith.addi %mul3A_0, %arg1 : i32
    %mul3A_1 = arith.constant 80 : i32
    %mul3A_2 = arith.muli %add3A, %mul3A_1 : i32
    %dma_start3A = arith.constant 0 : i32
    %dma_start3A_3 = tpu.memref_slice %arg2[%mul3A_2, %dma_start3A] : memref<2560x128xi32, #tpu.memory_space<hbm>> -> memref<80x128xi32, #tpu.memory_space<hbm>>
    %dma_start3A_4 = arith.constant 0 : i32
    %dma_start3A_5 = tpu.memref_slice %arg2[%mul3A_2, %dma_start3A_4] : memref<2560x128xi32, #tpu.memory_space<hbm>> -> memref<80x128xi32, #tpu.memory_space<hbm>>
    tpu.enqueue_dma source(%dma_start3A_5 : memref<80x128xi32, #tpu.memory_space<hbm>>) target(%arg4 : memref<80x128xi32, #tpu.memory_space<vmem>>) target_semaphore(%arg8 : memref<!tpu.dma_semaphore, #tpu.memory_space<semaphore_mem>>)
    %scan3A = arith.constant 0 : i32
    %scan3A_6 = arith.constant 8 : i32
    %scan3A_7 = arith.addi %scan3A, %scan3A_6 : i32
    %scan3A_8 = arith.constant 1 : i32
    scf.for %scan3A_30 = %scan3A to %scan3A_7 step %scan3A_8  : i32 {
      %mul3A_31 = arith.constant 16 : i32
      %mul3A_32 = arith.muli %scan3A_30, %mul3A_31 : i32
      %add3A_33 = arith.constant 0 : i32
      %add3A_34 = arith.addi %add3A_33, %mul3A_32 : i32
      %broadcast_in_dim3A = arith.constant 1.000000e+00 : f32
      %broadcast_in_dim3A_35 = vector.broadcast %broadcast_in_dim3A : f32 to vector<16xf32>
      %swap3A = arith.index_cast %add3A_34 : i32 to index
      %swap3A_36 = tpu.vector_load %arg5[%swap3A] {strides = array<i32>} : memref<128xf32, #tpu.memory_space<vmem>>, vector<16xf32>,
      %swap3A_37 = vector.shape_cast %swap3A_36 : vector<16xf32> to vector<16xf32>
      %swap3A_38 = vector.shape_cast %broadcast_in_dim3A_35 : vector<16xf32> to vector<16xf32>
      tpu.vector_store %arg5[%swap3A], %swap3A_38 {strides = array<i32>} : memref<128xf32, #tpu.memory_space<vmem>>, vector<16xf32>,
    }
    %scan3A_9 = arith.constant 8 : i32
    %scan3A_10 = arith.constant 0 : i32
    %scan3A_11 = arith.constant 40 : i32
    %scan3A_12 = arith.addi %scan3A_10, %scan3A_11 : i32
    %scan3A_13 = arith.constant 1 : i32
    scf.for %scan3A_30 = %scan3A_10 to %scan3A_12 step %scan3A_13  : i32 {
      %mul3A_31 = arith.constant 16 : i32
      %mul3A_32 = arith.muli %scan3A_30, %mul3A_31 : i32
      %add3A_33 = arith.constant 0 : i32
      %add3A_34 = arith.addi %add3A_33, %mul3A_32 : i32
      %broadcast_in_dim3A = arith.constant 0.000000e+00 : f32
      %broadcast_in_dim3A_35 = vector.broadcast %broadcast_in_dim3A : f32 to vector<16xf32>
      %swap3A = arith.index_cast %add3A_34 : i32 to index
      %swap3A_36 = tpu.vector_load %arg6[%swap3A] {strides = array<i32>} : memref<640xf32, #tpu.memory_space<vmem>>, vector<16xf32>,
      %swap3A_37 = vector.shape_cast %swap3A_36 : vector<16xf32> to vector<16xf32>
      %swap3A_38 = vector.shape_cast %broadcast_in_dim3A_35 : vector<16xf32> to vector<16xf32>
      tpu.vector_store %arg6[%swap3A], %swap3A_38 {strides = array<i32>} : memref<640xf32, #tpu.memory_space<vmem>>, vector<16xf32>,
    }
    %scan3A_14 = arith.constant 40 : i32
    %dma_wait3A = arith.constant 0 : i32
    %dma_wait3A_15 = tpu.memref_slice %arg2[%mul3A_2, %dma_wait3A] : memref<2560x128xi32, #tpu.memory_space<hbm>> -> memref<80x128xi32, #tpu.memory_space<hbm>>
    %dma_wait3A_16 = arith.constant 0 : i32
    %dma_wait3A_17 = tpu.memref_slice %arg2[%mul3A_2, %dma_wait3A_16] : memref<2560x128xi32, #tpu.memory_space<hbm>> -> memref<80x128xi32, #tpu.memory_space<hbm>>
    tpu.wait_dma2 semaphore(%arg8 : memref<!tpu.dma_semaphore, #tpu.memory_space<semaphore_mem>>) src(%dma_wait3A_17 : memref<80x128xi32, #tpu.memory_space<hbm>>) dst(%arg4 : memref<80x128xi32, #tpu.memory_space<vmem>>)
    %mul3A_18 = arith.constant 640 : i32
    %mul3A_19 = arith.muli %arg1, %mul3A_18 : i32
    "tpu.region"() ({
      %run_scoped3A = tpu.sem_alloc : memref<!tpu.dma_semaphore, #tpu.memory_space<semaphore_mem>>
      %dma_start3A_30 = tpu.memref_slice %arg7[%mul3A_19] : memref<10240xf32, #tpu.memory_space<vmem_shared>> -> memref<640xf32, #tpu.memory_space<vmem_shared>>
      %dma_start3A_31 = tpu.memref_slice %arg7[%mul3A_19] : memref<10240xf32, #tpu.memory_space<vmem_shared>> -> memref<640xf32, #tpu.memory_space<vmem_shared>>
      tpu.enqueue_dma source(%arg6 : memref<640xf32, #tpu.memory_space<vmem>>) target(%dma_start3A_31 : memref<640xf32, #tpu.memory_space<vmem_shared>>) target_semaphore(%run_scoped3A : memref<!tpu.dma_semaphore, #tpu.memory_space<semaphore_mem>>)
      %dma_wait3A_32 = tpu.memref_slice %arg7[%mul3A_19] : memref<10240xf32, #tpu.memory_space<vmem_shared>> -> memref<640xf32, #tpu.memory_space<vmem_shared>>
      %dma_wait3A_33 = tpu.memref_slice %arg7[%mul3A_19] : memref<10240xf32, #tpu.memory_space<vmem_shared>> -> memref<640xf32, #tpu.memory_space<vmem_shared>>
      tpu.wait_dma2 semaphore(%run_scoped3A : memref<!tpu.dma_semaphore, #tpu.memory_space<semaphore_mem>>) src(%arg6 : memref<640xf32, #tpu.memory_space<vmem>>) dst(%dma_wait3A_33 : memref<640xf32, #tpu.memory_space<vmem_shared>>)
      tpu.yield
    }) : () -> ()
    %barrier3A = arith.constant 0 : index
    tpu.barrier barrier_id(%barrier3A)
    %scan3A_20 = arith.constant 0 : i32
    %scan3A_21 = arith.constant 5 : i32
    %scan3A_22 = arith.addi %scan3A_20, %scan3A_21 : i32
    %scan3A_23 = arith.constant 1 : i32
    scf.for %scan3A_30 = %scan3A_20 to %scan3A_22 step %scan3A_23  : i32 {
      %mul3A_31 = arith.constant 16 : i32
      %mul3A_32 = arith.muli %scan3A_30, %mul3A_31 : i32
      %add3A_33 = arith.constant 0 : i32
      %add3A_34 = arith.addi %add3A_33, %mul3A_32 : i32
      %add3A_35 = arith.constant 0 : i32
      %add3A_36 = arith.addi %add3A_34, %add3A_35 : i32
      %dma_start3A_37 = arith.constant 0 : i32
      %dma_start3A_38 = tpu.memref_slice %arg4[%add3A_36, %dma_start3A_37] : memref<80x128xi32, #tpu.memory_space<vmem>> -> memref<1x128xi32, #tpu.memory_space<vmem>>
      %dma_start3A_39 = tpu.memref_squeeze %dma_start3A_38 : memref<1x128xi32, #tpu.memory_space<vmem>> -> memref<128xi32, #tpu.memory_space<vmem>>
      %dma_start3A_40 = arith.constant 0 : i32
      %dma_start3A_41 = tpu.memref_slice %arg7[%dma_start3A_40] : memref<10240xf32, #tpu.memory_space<vmem_shared>> -> memref<10240xf32, #tpu.memory_space<vmem_shared>>
      tpu.enqueue_indirect_dma source(%arg5 : memref<128xf32, #tpu.memory_space<vmem>>) target(%dma_start3A_41 : memref<10240xf32, #tpu.memory_space<vmem_shared>>) offsets(%dma_start3A_39 : memref<128xi32, #tpu.memory_space<vmem>>) semaphore(%arg8 : memref<!tpu.dma_semaphore, #tpu.memory_space<semaphore_mem>>) {add = true}
      %add3A_42 = arith.constant 1 : i32
      %add3A_43 = arith.addi %add3A_34, %add3A_42 : i32
      %dma_start3A_44 = arith.constant 0 : i32
      %dma_start3A_45 = tpu.memref_slice %arg4[%add3A_43, %dma_start3A_44] : memref<80x128xi32, #tpu.memory_space<vmem>> -> memref<1x128xi32, #tpu.memory_space<vmem>>
      %dma_start3A_46 = tpu.memref_squeeze %dma_start3A_45 : memref<1x128xi32, #tpu.memory_space<vmem>> -> memref<128xi32, #tpu.memory_space<vmem>>
      %dma_start3A_47 = arith.constant 0 : i32
      %dma_start3A_48 = tpu.memref_slice %arg7[%dma_start3A_47] : memref<10240xf32, #tpu.memory_space<vmem_shared>> -> memref<10240xf32, #tpu.memory_space<vmem_shared>>
      tpu.enqueue_indirect_dma source(%arg5 : memref<128xf32, #tpu.memory_space<vmem>>) target(%dma_start3A_48 : memref<10240xf32, #tpu.memory_space<vmem_shared>>) offsets(%dma_start3A_46 : memref<128xi32, #tpu.memory_space<vmem>>) semaphore(%arg8 : memref<!tpu.dma_semaphore, #tpu.memory_space<semaphore_mem>>) {add = true}
      %add3A_49 = arith.constant 2 : i32
      %add3A_50 = arith.addi %add3A_34, %add3A_49 : i32
      %dma_start3A_51 = arith.constant 0 : i32
      %dma_start3A_52 = tpu.memref_slice %arg4[%add3A_50, %dma_start3A_51] : memref<80x128xi32, #tpu.memory_space<vmem>> -> memref<1x128xi32, #tpu.memory_space<vmem>>
      %dma_start3A_53 = tpu.memref_squeeze %dma_start3A_52 : memref<1x128xi32, #tpu.memory_space<vmem>> -> memref<128xi32, #tpu.memory_space<vmem>>
      %dma_start3A_54 = arith.constant 0 : i32
      %dma_start3A_55 = tpu.memref_slice %arg7[%dma_start3A_54] : memref<10240xf32, #tpu.memory_space<vmem_shared>> -> memref<10240xf32, #tpu.memory_space<vmem_shared>>
      tpu.enqueue_indirect_dma source(%arg5 : memref<128xf32, #tpu.memory_space<vmem>>) target(%dma_start3A_55 : memref<10240xf32, #tpu.memory_space<vmem_shared>>) offsets(%dma_start3A_53 : memref<128xi32, #tpu.memory_space<vmem>>) semaphore(%arg8 : memref<!tpu.dma_semaphore, #tpu.memory_space<semaphore_mem>>) {add = true}
      %add3A_56 = arith.constant 3 : i32
      %add3A_57 = arith.addi %add3A_34, %add3A_56 : i32
      %dma_start3A_58 = arith.constant 0 : i32
      %dma_start3A_59 = tpu.memref_slice %arg4[%add3A_57, %dma_start3A_58] : memref<80x128xi32, #tpu.memory_space<vmem>> -> memref<1x128xi32, #tpu.memory_space<vmem>>
      %dma_start3A_60 = tpu.memref_squeeze %dma_start3A_59 : memref<1x128xi32, #tpu.memory_space<vmem>> -> memref<128xi32, #tpu.memory_space<vmem>>
      %dma_start3A_61 = arith.constant 0 : i32
      %dma_start3A_62 = tpu.memref_slice %arg7[%dma_start3A_61] : memref<10240xf32, #tpu.memory_space<vmem_shared>> -> memref<10240xf32, #tpu.memory_space<vmem_shared>>
      tpu.enqueue_indirect_dma source(%arg5 : memref<128xf32, #tpu.memory_space<vmem>>) target(%dma_start3A_62 : memref<10240xf32, #tpu.memory_space<vmem_shared>>) offsets(%dma_start3A_60 : memref<128xi32, #tpu.memory_space<vmem>>) semaphore(%arg8 : memref<!tpu.dma_semaphore, #tpu.memory_space<semaphore_mem>>) {add = true}
      %add3A_63 = arith.constant 4 : i32
      %add3A_64 = arith.addi %add3A_34, %add3A_63 : i32
      %dma_start3A_65 = arith.constant 0 : i32
      %dma_start3A_66 = tpu.memref_slice %arg4[%add3A_64, %dma_start3A_65] : memref<80x128xi32, #tpu.memory_space<vmem>> -> memref<1x128xi32, #tpu.memory_space<vmem>>
      %dma_start3A_67 = tpu.memref_squeeze %dma_start3A_66 : memref<1x128xi32, #tpu.memory_space<vmem>> -> memref<128xi32, #tpu.memory_space<vmem>>
      %dma_start3A_68 = arith.constant 0 : i32
      %dma_start3A_69 = tpu.memref_slice %arg7[%dma_start3A_68] : memref<10240xf32, #tpu.memory_space<vmem_shared>> -> memref<10240xf32, #tpu.memory_space<vmem_shared>>
      tpu.enqueue_indirect_dma source(%arg5 : memref<128xf32, #tpu.memory_space<vmem>>) target(%dma_start3A_69 : memref<10240xf32, #tpu.memory_space<vmem_shared>>) offsets(%dma_start3A_67 : memref<128xi32, #tpu.memory_space<vmem>>) semaphore(%arg8 : memref<!tpu.dma_semaphore, #tpu.memory_space<semaphore_mem>>) {add = true}
      %add3A_70 = arith.constant 5 : i32
      %add3A_71 = arith.addi %add3A_34, %add3A_70 : i32
      %dma_start3A_72 = arith.constant 0 : i32
      %dma_start3A_73 = tpu.memref_slice %arg4[%add3A_71, %dma_start3A_72] : memref<80x128xi32, #tpu.memory_space<vmem>> -> memref<1x128xi32, #tpu.memory_space<vmem>>
      %dma_start3A_74 = tpu.memref_squeeze %dma_start3A_73 : memref<1x128xi32, #tpu.memory_space<vmem>> -> memref<128xi32, #tpu.memory_space<vmem>>
      %dma_start3A_75 = arith.constant 0 : i32
      %dma_start3A_76 = tpu.memref_slice %arg7[%dma_start3A_75] : memref<10240xf32, #tpu.memory_space<vmem_shared>> -> memref<10240xf32, #tpu.memory_space<vmem_shared>>
      tpu.enqueue_indirect_dma source(%arg5 : memref<128xf32, #tpu.memory_space<vmem>>) target(%dma_start3A_76 : memref<10240xf32, #tpu.memory_space<vmem_shared>>) offsets(%dma_start3A_74 : memref<128xi32, #tpu.memory_space<vmem>>) semaphore(%arg8 : memref<!tpu.dma_semaphore, #tpu.memory_space<semaphore_mem>>) {add = true}
      %add3A_77 = arith.constant 6 : i32
      %add3A_78 = arith.addi %add3A_34, %add3A_77 : i32
      %dma_start3A_79 = arith.constant 0 : i32
      %dma_start3A_80 = tpu.memref_slice %arg4[%add3A_78, %dma_start3A_79] : memref<80x128xi32, #tpu.memory_space<vmem>> -> memref<1x128xi32, #tpu.memory_space<vmem>>
      %dma_start3A_81 = tpu.memref_squeeze %dma_start3A_80 : memref<1x128xi32, #tpu.memory_space<vmem>> -> memref<128xi32, #tpu.memory_space<vmem>>
      %dma_start3A_82 = arith.constant 0 : i32
      %dma_start3A_83 = tpu.memref_slice %arg7[%dma_start3A_82] : memref<10240xf32, #tpu.memory_space<vmem_shared>> -> memref<10240xf32, #tpu.memory_space<vmem_shared>>
      tpu.enqueue_indirect_dma source(%arg5 : memref<128xf32, #tpu.memory_space<vmem>>) target(%dma_start3A_83 : memref<10240xf32, #tpu.memory_space<vmem_shared>>) offsets(%dma_start3A_81 : memref<128xi32, #tpu.memory_space<vmem>>) semaphore(%arg8 : memref<!tpu.dma_semaphore, #tpu.memory_space<semaphore_mem>>) {add = true}
      %add3A_84 = arith.constant 7 : i32
      %add3A_85 = arith.addi %add3A_34, %add3A_84 : i32
      %dma_start3A_86 = arith.constant 0 : i32
      %dma_start3A_87 = tpu.memref_slice %arg4[%add3A_85, %dma_start3A_86] : memref<80x128xi32, #tpu.memory_space<vmem>> -> memref<1x128xi32, #tpu.memory_space<vmem>>
      %dma_start3A_88 = tpu.memref_squeeze %dma_start3A_87 : memref<1x128xi32, #tpu.memory_space<vmem>> -> memref<128xi32, #tpu.memory_space<vmem>>
      %dma_start3A_89 = arith.constant 0 : i32
      %dma_start3A_90 = tpu.memref_slice %arg7[%dma_start3A_89] : memref<10240xf32, #tpu.memory_space<vmem_shared>> -> memref<10240xf32, #tpu.memory_space<vmem_shared>>
      tpu.enqueue_indirect_dma source(%arg5 : memref<128xf32, #tpu.memory_space<vmem>>) target(%dma_start3A_90 : memref<10240xf32, #tpu.memory_space<vmem_shared>>) offsets(%dma_start3A_88 : memref<128xi32, #tpu.memory_space<vmem>>) semaphore(%arg8 : memref<!tpu.dma_semaphore, #tpu.memory_space<semaphore_mem>>) {add = true}
      %add3A_91 = arith.constant 8 : i32
      %add3A_92 = arith.addi %add3A_34, %add3A_91 : i32
      %dma_start3A_93 = arith.constant 0 : i32
      %dma_start3A_94 = tpu.memref_slice %arg4[%add3A_92, %dma_start3A_93] : memref<80x128xi32, #tpu.memory_space<vmem>> -> memref<1x128xi32, #tpu.memory_space<vmem>>
      %dma_start3A_95 = tpu.memref_squeeze %dma_start3A_94 : memref<1x128xi32, #tpu.memory_space<vmem>> -> memref<128xi32, #tpu.memory_space<vmem>>
      %dma_start3A_96 = arith.constant 0 : i32
      %dma_start3A_97 = tpu.memref_slice %arg7[%dma_start3A_96] : memref<10240xf32, #tpu.memory_space<vmem_shared>> -> memref<10240xf32, #tpu.memory_space<vmem_shared>>
      tpu.enqueue_indirect_dma source(%arg5 : memref<128xf32, #tpu.memory_space<vmem>>) target(%dma_start3A_97 : memref<10240xf32, #tpu.memory_space<vmem_shared>>) offsets(%dma_start3A_95 : memref<128xi32, #tpu.memory_space<vmem>>) semaphore(%arg8 : memref<!tpu.dma_semaphore, #tpu.memory_space<semaphore_mem>>) {add = true}
      %add3A_98 = arith.constant 9 : i32
      %add3A_99 = arith.addi %add3A_34, %add3A_98 : i32
      %dma_start3A_100 = arith.constant 0 : i32
      %dma_start3A_101 = tpu.memref_slice %arg4[%add3A_99, %dma_start3A_100] : memref<80x128xi32, #tpu.memory_space<vmem>> -> memref<1x128xi32, #tpu.memory_space<vmem>>
      %dma_start3A_102 = tpu.memref_squeeze %dma_start3A_101 : memref<1x128xi32, #tpu.memory_space<vmem>> -> memref<128xi32, #tpu.memory_space<vmem>>
      %dma_start3A_103 = arith.constant 0 : i32
      %dma_start3A_104 = tpu.memref_slice %arg7[%dma_start3A_103] : memref<10240xf32, #tpu.memory_space<vmem_shared>> -> memref<10240xf32, #tpu.memory_space<vmem_shared>>
      tpu.enqueue_indirect_dma source(%arg5 : memref<128xf32, #tpu.memory_space<vmem>>) target(%dma_start3A_104 : memref<10240xf32, #tpu.memory_space<vmem_shared>>) offsets(%dma_start3A_102 : memref<128xi32, #tpu.memory_space<vmem>>) semaphore(%arg8 : memref<!tpu.dma_semaphore, #tpu.memory_space<semaphore_mem>>) {add = true}
      %add3A_105 = arith.constant 10 : i32
      %add3A_106 = arith.addi %add3A_34, %add3A_105 : i32
      %dma_start3A_107 = arith.constant 0 : i32
      %dma_start3A_108 = tpu.memref_slice %arg4[%add3A_106, %dma_start3A_107] : memref<80x128xi32, #tpu.memory_space<vmem>> -> memref<1x128xi32, #tpu.memory_space<vmem>>
      %dma_start3A_109 = tpu.memref_squeeze %dma_start3A_108 : memref<1x128xi32, #tpu.memory_space<vmem>> -> memref<128xi32, #tpu.memory_space<vmem>>
      %dma_start3A_110 = arith.constant 0 : i32
      %dma_start3A_111 = tpu.memref_slice %arg7[%dma_start3A_110] : memref<10240xf32, #tpu.memory_space<vmem_shared>> -> memref<10240xf32, #tpu.memory_space<vmem_shared>>
      tpu.enqueue_indirect_dma source(%arg5 : memref<128xf32, #tpu.memory_space<vmem>>) target(%dma_start3A_111 : memref<10240xf32, #tpu.memory_space<vmem_shared>>) offsets(%dma_start3A_109 : memref<128xi32, #tpu.memory_space<vmem>>) semaphore(%arg8 : memref<!tpu.dma_semaphore, #tpu.memory_space<semaphore_mem>>) {add = true}
      %add3A_112 = arith.constant 11 : i32
      %add3A_113 = arith.addi %add3A_34, %add3A_112 : i32
      %dma_start3A_114 = arith.constant 0 : i32
      %dma_start3A_115 = tpu.memref_slice %arg4[%add3A_113, %dma_start3A_114] : memref<80x128xi32, #tpu.memory_space<vmem>> -> memref<1x128xi32, #tpu.memory_space<vmem>>
      %dma_start3A_116 = tpu.memref_squeeze %dma_start3A_115 : memref<1x128xi32, #tpu.memory_space<vmem>> -> memref<128xi32, #tpu.memory_space<vmem>>
      %dma_start3A_117 = arith.constant 0 : i32
      %dma_start3A_118 = tpu.memref_slice %arg7[%dma_start3A_117] : memref<10240xf32, #tpu.memory_space<vmem_shared>> -> memref<10240xf32, #tpu.memory_space<vmem_shared>>
      tpu.enqueue_indirect_dma source(%arg5 : memref<128xf32, #tpu.memory_space<vmem>>) target(%dma_start3A_118 : memref<10240xf32, #tpu.memory_space<vmem_shared>>) offsets(%dma_start3A_116 : memref<128xi32, #tpu.memory_space<vmem>>) semaphore(%arg8 : memref<!tpu.dma_semaphore, #tpu.memory_space<semaphore_mem>>) {add = true}
      %add3A_119 = arith.constant 12 : i32
      %add3A_120 = arith.addi %add3A_34, %add3A_119 : i32
      %dma_start3A_121 = arith.constant 0 : i32
      %dma_start3A_122 = tpu.memref_slice %arg4[%add3A_120, %dma_start3A_121] : memref<80x128xi32, #tpu.memory_space<vmem>> -> memref<1x128xi32, #tpu.memory_space<vmem>>
      %dma_start3A_123 = tpu.memref_squeeze %dma_start3A_122 : memref<1x128xi32, #tpu.memory_space<vmem>> -> memref<128xi32, #tpu.memory_space<vmem>>
      %dma_start3A_124 = arith.constant 0 : i32
      %dma_start3A_125 = tpu.memref_slice %arg7[%dma_start3A_124] : memref<10240xf32, #tpu.memory_space<vmem_shared>> -> memref<10240xf32, #tpu.memory_space<vmem_shared>>
      tpu.enqueue_indirect_dma source(%arg5 : memref<128xf32, #tpu.memory_space<vmem>>) target(%dma_start3A_125 : memref<10240xf32, #tpu.memory_space<vmem_shared>>) offsets(%dma_start3A_123 : memref<128xi32, #tpu.memory_space<vmem>>) semaphore(%arg8 : memref<!tpu.dma_semaphore, #tpu.memory_space<semaphore_mem>>) {add = true}
      %add3A_126 = arith.constant 13 : i32
      %add3A_127 = arith.addi %add3A_34, %add3A_126 : i32
      %dma_start3A_128 = arith.constant 0 : i32
      %dma_start3A_129 = tpu.memref_slice %arg4[%add3A_127, %dma_start3A_128] : memref<80x128xi32, #tpu.memory_space<vmem>> -> memref<1x128xi32, #tpu.memory_space<vmem>>
      %dma_start3A_130 = tpu.memref_squeeze %dma_start3A_129 : memref<1x128xi32, #tpu.memory_space<vmem>> -> memref<128xi32, #tpu.memory_space<vmem>>
      %dma_start3A_131 = arith.constant 0 : i32
      %dma_start3A_132 = tpu.memref_slice %arg7[%dma_start3A_131] : memref<10240xf32, #tpu.memory_space<vmem_shared>> -> memref<10240xf32, #tpu.memory_space<vmem_shared>>
      tpu.enqueue_indirect_dma source(%arg5 : memref<128xf32, #tpu.memory_space<vmem>>) target(%dma_start3A_132 : memref<10240xf32, #tpu.memory_space<vmem_shared>>) offsets(%dma_start3A_130 : memref<128xi32, #tpu.memory_space<vmem>>) semaphore(%arg8 : memref<!tpu.dma_semaphore, #tpu.memory_space<semaphore_mem>>) {add = true}
      %add3A_133 = arith.constant 14 : i32
      %add3A_134 = arith.addi %add3A_34, %add3A_133 : i32
      %dma_start3A_135 = arith.constant 0 : i32
      %dma_start3A_136 = tpu.memref_slice %arg4[%add3A_134, %dma_start3A_135] : memref<80x128xi32, #tpu.memory_space<vmem>> -> memref<1x128xi32, #tpu.memory_space<vmem>>
      %dma_start3A_137 = tpu.memref_squeeze %dma_start3A_136 : memref<1x128xi32, #tpu.memory_space<vmem>> -> memref<128xi32, #tpu.memory_space<vmem>>
      %dma_start3A_138 = arith.constant 0 : i32
      %dma_start3A_139 = tpu.memref_slice %arg7[%dma_start3A_138] : memref<10240xf32, #tpu.memory_space<vmem_shared>> -> memref<10240xf32, #tpu.memory_space<vmem_shared>>
      tpu.enqueue_indirect_dma source(%arg5 : memref<128xf32, #tpu.memory_space<vmem>>) target(%dma_start3A_139 : memref<10240xf32, #tpu.memory_space<vmem_shared>>) offsets(%dma_start3A_137 : memref<128xi32, #tpu.memory_space<vmem>>) semaphore(%arg8 : memref<!tpu.dma_semaphore, #tpu.memory_space<semaphore_mem>>) {add = true}
      %add3A_140 = arith.constant 15 : i32
      %add3A_141 = arith.addi %add3A_34, %add3A_140 : i32
      %dma_start3A_142 = arith.constant 0 : i32
      %dma_start3A_143 = tpu.memref_slice %arg4[%add3A_141, %dma_start3A_142] : memref<80x128xi32, #tpu.memory_space<vmem>> -> memref<1x128xi32, #tpu.memory_space<vmem>>
      %dma_start3A_144 = tpu.memref_squeeze %dma_start3A_143 : memref<1x128xi32, #tpu.memory_space<vmem>> -> memref<128xi32, #tpu.memory_space<vmem>>
      %dma_start3A_145 = arith.constant 0 : i32
      %dma_start3A_146 = tpu.memref_slice %arg7[%dma_start3A_145] : memref<10240xf32, #tpu.memory_space<vmem_shared>> -> memref<10240xf32, #tpu.memory_space<vmem_shared>>
      tpu.enqueue_indirect_dma source(%arg5 : memref<128xf32, #tpu.memory_space<vmem>>) target(%dma_start3A_146 : memref<10240xf32, #tpu.memory_space<vmem_shared>>) offsets(%dma_start3A_144 : memref<128xi32, #tpu.memory_space<vmem>>) semaphore(%arg8 : memref<!tpu.dma_semaphore, #tpu.memory_space<semaphore_mem>>) {add = true}
      %add3A_147 = arith.constant 0 : i32
      %add3A_148 = arith.addi %add3A_34, %add3A_147 : i32
      %dma_wait3A_149 = arith.constant 0 : i32
      %dma_wait3A_150 = tpu.memref_slice %arg4[%add3A_148, %dma_wait3A_149] : memref<80x128xi32, #tpu.memory_space<vmem>> -> memref<1x128xi32, #tpu.memory_space<vmem>>
      %dma_wait3A_151 = tpu.memref_squeeze %dma_wait3A_150 : memref<1x128xi32, #tpu.memory_space<vmem>> -> memref<128xi32, #tpu.memory_space<vmem>>
      %dma_wait3A_152 = arith.constant 0 : i32
      %dma_wait3A_153 = tpu.memref_slice %arg7[%dma_wait3A_152] : memref<10240xf32, #tpu.memory_space<vmem_shared>> -> memref<10240xf32, #tpu.memory_space<vmem_shared>>
      tpu.wait_indirect_dma semaphore(%arg8 : memref<!tpu.dma_semaphore, #tpu.memory_space<semaphore_mem>>) src(%arg5 : memref<128xf32, #tpu.memory_space<vmem>>) dst(%dma_wait3A_153 : memref<10240xf32, #tpu.memory_space<vmem_shared>>)
      %add3A_154 = arith.constant 1 : i32
      %add3A_155 = arith.addi %add3A_34, %add3A_154 : i32
      %dma_wait3A_156 = arith.constant 0 : i32
      %dma_wait3A_157 = tpu.memref_slice %arg4[%add3A_155, %dma_wait3A_156] : memref<80x128xi32, #tpu.memory_space<vmem>> -> memref<1x128xi32, #tpu.memory_space<vmem>>
      %dma_wait3A_158 = tpu.memref_squeeze %dma_wait3A_157 : memref<1x128xi32, #tpu.memory_space<vmem>> -> memref<128xi32, #tpu.memory_space<vmem>>
      %dma_wait3A_159 = arith.constant 0 : i32
      %dma_wait3A_160 = tpu.memref_slice %arg7[%dma_wait3A_159] : memref<10240xf32, #tpu.memory_space<vmem_shared>> -> memref<10240xf32, #tpu.memory_space<vmem_shared>>
      tpu.wait_indirect_dma semaphore(%arg8 : memref<!tpu.dma_semaphore, #tpu.memory_space<semaphore_mem>>) src(%arg5 : memref<128xf32, #tpu.memory_space<vmem>>) dst(%dma_wait3A_160 : memref<10240xf32, #tpu.memory_space<vmem_shared>>)
      %add3A_161 = arith.constant 2 : i32
      %add3A_162 = arith.addi %add3A_34, %add3A_161 : i32
      %dma_wait3A_163 = arith.constant 0 : i32
      %dma_wait3A_164 = tpu.memref_slice %arg4[%add3A_162, %dma_wait3A_163] : memref<80x128xi32, #tpu.memory_space<vmem>> -> memref<1x128xi32, #tpu.memory_space<vmem>>
      %dma_wait3A_165 = tpu.memref_squeeze %dma_wait3A_164 : memref<1x128xi32, #tpu.memory_space<vmem>> -> memref<128xi32, #tpu.memory_space<vmem>>
      %dma_wait3A_166 = arith.constant 0 : i32
      %dma_wait3A_167 = tpu.memref_slice %arg7[%dma_wait3A_166] : memref<10240xf32, #tpu.memory_space<vmem_shared>> -> memref<10240xf32, #tpu.memory_space<vmem_shared>>
      tpu.wait_indirect_dma semaphore(%arg8 : memref<!tpu.dma_semaphore, #tpu.memory_space<semaphore_mem>>) src(%arg5 : memref<128xf32, #tpu.memory_space<vmem>>) dst(%dma_wait3A_167 : memref<10240xf32, #tpu.memory_space<vmem_shared>>)
      %add3A_168 = arith.constant 3 : i32
      %add3A_169 = arith.addi %add3A_34, %add3A_168 : i32
      %dma_wait3A_170 = arith.constant 0 : i32
      %dma_wait3A_171 = tpu.memref_slice %arg4[%add3A_169, %dma_wait3A_170] : memref<80x128xi32, #tpu.memory_space<vmem>> -> memref<1x128xi32, #tpu.memory_space<vmem>>
      %dma_wait3A_172 = tpu.memref_squeeze %dma_wait3A_171 : memref<1x128xi32, #tpu.memory_space<vmem>> -> memref<128xi32, #tpu.memory_space<vmem>>
      %dma_wait3A_173 = arith.constant 0 : i32
      %dma_wait3A_174 = tpu.memref_slice %arg7[%dma_wait3A_173] : memref<10240xf32, #tpu.memory_space<vmem_shared>> -> memref<10240xf32, #tpu.memory_space<vmem_shared>>
      tpu.wait_indirect_dma semaphore(%arg8 : memref<!tpu.dma_semaphore, #tpu.memory_space<semaphore_mem>>) src(%arg5 : memref<128xf32, #tpu.memory_space<vmem>>) dst(%dma_wait3A_174 : memref<10240xf32, #tpu.memory_space<vmem_shared>>)
      %add3A_175 = arith.constant 4 : i32
      %add3A_176 = arith.addi %add3A_34, %add3A_175 : i32
      %dma_wait3A_177 = arith.constant 0 : i32
      %dma_wait3A_178 = tpu.memref_slice %arg4[%add3A_176, %dma_wait3A_177] : memref<80x128xi32, #tpu.memory_space<vmem>> -> memref<1x128xi32, #tpu.memory_space<vmem>>
      %dma_wait3A_179 = tpu.memref_squeeze %dma_wait3A_178 : memref<1x128xi32, #tpu.memory_space<vmem>> -> memref<128xi32, #tpu.memory_space<vmem>>
      %dma_wait3A_180 = arith.constant 0 : i32
      %dma_wait3A_181 = tpu.memref_slice %arg7[%dma_wait3A_180] : memref<10240xf32, #tpu.memory_space<vmem_shared>> -> memref<10240xf32, #tpu.memory_space<vmem_shared>>
      tpu.wait_indirect_dma semaphore(%arg8 : memref<!tpu.dma_semaphore, #tpu.memory_space<semaphore_mem>>) src(%arg5 : memref<128xf32, #tpu.memory_space<vmem>>) dst(%dma_wait3A_181 : memref<10240xf32, #tpu.memory_space<vmem_shared>>)
      %add3A_182 = arith.constant 5 : i32
      %add3A_183 = arith.addi %add3A_34, %add3A_182 : i32
      %dma_wait3A_184 = arith.constant 0 : i32
      %dma_wait3A_185 = tpu.memref_slice %arg4[%add3A_183, %dma_wait3A_184] : memref<80x128xi32, #tpu.memory_space<vmem>> -> memref<1x128xi32, #tpu.memory_space<vmem>>
      %dma_wait3A_186 = tpu.memref_squeeze %dma_wait3A_185 : memref<1x128xi32, #tpu.memory_space<vmem>> -> memref<128xi32, #tpu.memory_space<vmem>>
      %dma_wait3A_187 = arith.constant 0 : i32
      %dma_wait3A_188 = tpu.memref_slice %arg7[%dma_wait3A_187] : memref<10240xf32, #tpu.memory_space<vmem_shared>> -> memref<10240xf32, #tpu.memory_space<vmem_shared>>
      tpu.wait_indirect_dma semaphore(%arg8 : memref<!tpu.dma_semaphore, #tpu.memory_space<semaphore_mem>>) src(%arg5 : memref<128xf32, #tpu.memory_space<vmem>>) dst(%dma_wait3A_188 : memref<10240xf32, #tpu.memory_space<vmem_shared>>)
      %add3A_189 = arith.constant 6 : i32
      %add3A_190 = arith.addi %add3A_34, %add3A_189 : i32
      %dma_wait3A_191 = arith.constant 0 : i32
      %dma_wait3A_192 = tpu.memref_slice %arg4[%add3A_190, %dma_wait3A_191] : memref<80x128xi32, #tpu.memory_space<vmem>> -> memref<1x128xi32, #tpu.memory_space<vmem>>
      %dma_wait3A_193 = tpu.memref_squeeze %dma_wait3A_192 : memref<1x128xi32, #tpu.memory_space<vmem>> -> memref<128xi32, #tpu.memory_space<vmem>>
      %dma_wait3A_194 = arith.constant 0 : i32
      %dma_wait3A_195 = tpu.memref_slice %arg7[%dma_wait3A_194] : memref<10240xf32, #tpu.memory_space<vmem_shared>> -> memref<10240xf32, #tpu.memory_space<vmem_shared>>
      tpu.wait_indirect_dma semaphore(%arg8 : memref<!tpu.dma_semaphore, #tpu.memory_space<semaphore_mem>>) src(%arg5 : memref<128xf32, #tpu.memory_space<vmem>>) dst(%dma_wait3A_195 : memref<10240xf32, #tpu.memory_space<vmem_shared>>)
      %add3A_196 = arith.constant 7 : i32
      %add3A_197 = arith.addi %add3A_34, %add3A_196 : i32
      %dma_wait3A_198 = arith.constant 0 : i32
      %dma_wait3A_199 = tpu.memref_slice %arg4[%add3A_197, %dma_wait3A_198] : memref<80x128xi32, #tpu.memory_space<vmem>> -> memref<1x128xi32, #tpu.memory_space<vmem>>
      %dma_wait3A_200 = tpu.memref_squeeze %dma_wait3A_199 : memref<1x128xi32, #tpu.memory_space<vmem>> -> memref<128xi32, #tpu.memory_space<vmem>>
      %dma_wait3A_201 = arith.constant 0 : i32
      %dma_wait3A_202 = tpu.memref_slice %arg7[%dma_wait3A_201] : memref<10240xf32, #tpu.memory_space<vmem_shared>> -> memref<10240xf32, #tpu.memory_space<vmem_shared>>
      tpu.wait_indirect_dma semaphore(%arg8 : memref<!tpu.dma_semaphore, #tpu.memory_space<semaphore_mem>>) src(%arg5 : memref<128xf32, #tpu.memory_space<vmem>>) dst(%dma_wait3A_202 : memref<10240xf32, #tpu.memory_space<vmem_shared>>)
      %add3A_203 = arith.constant 8 : i32
      %add3A_204 = arith.addi %add3A_34, %add3A_203 : i32
      %dma_wait3A_205 = arith.constant 0 : i32
      %dma_wait3A_206 = tpu.memref_slice %arg4[%add3A_204, %dma_wait3A_205] : memref<80x128xi32, #tpu.memory_space<vmem>> -> memref<1x128xi32, #tpu.memory_space<vmem>>
      %dma_wait3A_207 = tpu.memref_squeeze %dma_wait3A_206 : memref<1x128xi32, #tpu.memory_space<vmem>> -> memref<128xi32, #tpu.memory_space<vmem>>
      %dma_wait3A_208 = arith.constant 0 : i32
      %dma_wait3A_209 = tpu.memref_slice %arg7[%dma_wait3A_208] : memref<10240xf32, #tpu.memory_space<vmem_shared>> -> memref<10240xf32, #tpu.memory_space<vmem_shared>>
      tpu.wait_indirect_dma semaphore(%arg8 : memref<!tpu.dma_semaphore, #tpu.memory_space<semaphore_mem>>) src(%arg5 : memref<128xf32, #tpu.memory_space<vmem>>) dst(%dma_wait3A_209 : memref<10240xf32, #tpu.memory_space<vmem_shared>>)
      %add3A_210 = arith.constant 9 : i32
      %add3A_211 = arith.addi %add3A_34, %add3A_210 : i32
      %dma_wait3A_212 = arith.constant 0 : i32
      %dma_wait3A_213 = tpu.memref_slice %arg4[%add3A_211, %dma_wait3A_212] : memref<80x128xi32, #tpu.memory_space<vmem>> -> memref<1x128xi32, #tpu.memory_space<vmem>>
      %dma_wait3A_214 = tpu.memref_squeeze %dma_wait3A_213 : memref<1x128xi32, #tpu.memory_space<vmem>> -> memref<128xi32, #tpu.memory_space<vmem>>
      %dma_wait3A_215 = arith.constant 0 : i32
      %dma_wait3A_216 = tpu.memref_slice %arg7[%dma_wait3A_215] : memref<10240xf32, #tpu.memory_space<vmem_shared>> -> memref<10240xf32, #tpu.memory_space<vmem_shared>>
      tpu.wait_indirect_dma semaphore(%arg8 : memref<!tpu.dma_semaphore, #tpu.memory_space<semaphore_mem>>) src(%arg5 : memref<128xf32, #tpu.memory_space<vmem>>) dst(%dma_wait3A_216 : memref<10240xf32, #tpu.memory_space<vmem_shared>>)
      %add3A_217 = arith.constant 10 : i32
      %add3A_218 = arith.addi %add3A_34, %add3A_217 : i32
      %dma_wait3A_219 = arith.constant 0 : i32
      %dma_wait3A_220 = tpu.memref_slice %arg4[%add3A_218, %dma_wait3A_219] : memref<80x128xi32, #tpu.memory_space<vmem>> -> memref<1x128xi32, #tpu.memory_space<vmem>>
      %dma_wait3A_221 = tpu.memref_squeeze %dma_wait3A_220 : memref<1x128xi32, #tpu.memory_space<vmem>> -> memref<128xi32, #tpu.memory_space<vmem>>
      %dma_wait3A_222 = arith.constant 0 : i32
      %dma_wait3A_223 = tpu.memref_slice %arg7[%dma_wait3A_222] : memref<10240xf32, #tpu.memory_space<vmem_shared>> -> memref<10240xf32, #tpu.memory_space<vmem_shared>>
      tpu.wait_indirect_dma semaphore(%arg8 : memref<!tpu.dma_semaphore, #tpu.memory_space<semaphore_mem>>) src(%arg5 : memref<128xf32, #tpu.memory_space<vmem>>) dst(%dma_wait3A_223 : memref<10240xf32, #tpu.memory_space<vmem_shared>>)
      %add3A_224 = arith.constant 11 : i32
      %add3A_225 = arith.addi %add3A_34, %add3A_224 : i32
      %dma_wait3A_226 = arith.constant 0 : i32
      %dma_wait3A_227 = tpu.memref_slice %arg4[%add3A_225, %dma_wait3A_226] : memref<80x128xi32, #tpu.memory_space<vmem>> -> memref<1x128xi32, #tpu.memory_space<vmem>>
      %dma_wait3A_228 = tpu.memref_squeeze %dma_wait3A_227 : memref<1x128xi32, #tpu.memory_space<vmem>> -> memref<128xi32, #tpu.memory_space<vmem>>
      %dma_wait3A_229 = arith.constant 0 : i32
      %dma_wait3A_230 = tpu.memref_slice %arg7[%dma_wait3A_229] : memref<10240xf32, #tpu.memory_space<vmem_shared>> -> memref<10240xf32, #tpu.memory_space<vmem_shared>>
      tpu.wait_indirect_dma semaphore(%arg8 : memref<!tpu.dma_semaphore, #tpu.memory_space<semaphore_mem>>) src(%arg5 : memref<128xf32, #tpu.memory_space<vmem>>) dst(%dma_wait3A_230 : memref<10240xf32, #tpu.memory_space<vmem_shared>>)
      %add3A_231 = arith.constant 12 : i32
      %add3A_232 = arith.addi %add3A_34, %add3A_231 : i32
      %dma_wait3A_233 = arith.constant 0 : i32
      %dma_wait3A_234 = tpu.memref_slice %arg4[%add3A_232, %dma_wait3A_233] : memref<80x128xi32, #tpu.memory_space<vmem>> -> memref<1x128xi32, #tpu.memory_space<vmem>>
      %dma_wait3A_235 = tpu.memref_squeeze %dma_wait3A_234 : memref<1x128xi32, #tpu.memory_space<vmem>> -> memref<128xi32, #tpu.memory_space<vmem>>
      %dma_wait3A_236 = arith.constant 0 : i32
      %dma_wait3A_237 = tpu.memref_slice %arg7[%dma_wait3A_236] : memref<10240xf32, #tpu.memory_space<vmem_shared>> -> memref<10240xf32, #tpu.memory_space<vmem_shared>>
      tpu.wait_indirect_dma semaphore(%arg8 : memref<!tpu.dma_semaphore, #tpu.memory_space<semaphore_mem>>) src(%arg5 : memref<128xf32, #tpu.memory_space<vmem>>) dst(%dma_wait3A_237 : memref<10240xf32, #tpu.memory_space<vmem_shared>>)
      %add3A_238 = arith.constant 13 : i32
      %add3A_239 = arith.addi %add3A_34, %add3A_238 : i32
      %dma_wait3A_240 = arith.constant 0 : i32
      %dma_wait3A_241 = tpu.memref_slice %arg4[%add3A_239, %dma_wait3A_240] : memref<80x128xi32, #tpu.memory_space<vmem>> -> memref<1x128xi32, #tpu.memory_space<vmem>>
      %dma_wait3A_242 = tpu.memref_squeeze %dma_wait3A_241 : memref<1x128xi32, #tpu.memory_space<vmem>> -> memref<128xi32, #tpu.memory_space<vmem>>
      %dma_wait3A_243 = arith.constant 0 : i32
      %dma_wait3A_244 = tpu.memref_slice %arg7[%dma_wait3A_243] : memref<10240xf32, #tpu.memory_space<vmem_shared>> -> memref<10240xf32, #tpu.memory_space<vmem_shared>>
      tpu.wait_indirect_dma semaphore(%arg8 : memref<!tpu.dma_semaphore, #tpu.memory_space<semaphore_mem>>) src(%arg5 : memref<128xf32, #tpu.memory_space<vmem>>) dst(%dma_wait3A_244 : memref<10240xf32, #tpu.memory_space<vmem_shared>>)
      %add3A_245 = arith.constant 14 : i32
      %add3A_246 = arith.addi %add3A_34, %add3A_245 : i32
      %dma_wait3A_247 = arith.constant 0 : i32
      %dma_wait3A_248 = tpu.memref_slice %arg4[%add3A_246, %dma_wait3A_247] : memref<80x128xi32, #tpu.memory_space<vmem>> -> memref<1x128xi32, #tpu.memory_space<vmem>>
      %dma_wait3A_249 = tpu.memref_squeeze %dma_wait3A_248 : memref<1x128xi32, #tpu.memory_space<vmem>> -> memref<128xi32, #tpu.memory_space<vmem>>
      %dma_wait3A_250 = arith.constant 0 : i32
      %dma_wait3A_251 = tpu.memref_slice %arg7[%dma_wait3A_250] : memref<10240xf32, #tpu.memory_space<vmem_shared>> -> memref<10240xf32, #tpu.memory_space<vmem_shared>>
      tpu.wait_indirect_dma semaphore(%arg8 : memref<!tpu.dma_semaphore, #tpu.memory_space<semaphore_mem>>) src(%arg5 : memref<128xf32, #tpu.memory_space<vmem>>) dst(%dma_wait3A_251 : memref<10240xf32, #tpu.memory_space<vmem_shared>>)
      %add3A_252 = arith.constant 15 : i32
      %add3A_253 = arith.addi %add3A_34, %add3A_252 : i32
      %dma_wait3A_254 = arith.constant 0 : i32
      %dma_wait3A_255 = tpu.memref_slice %arg4[%add3A_253, %dma_wait3A_254] : memref<80x128xi32, #tpu.memory_space<vmem>> -> memref<1x128xi32, #tpu.memory_space<vmem>>
      %dma_wait3A_256 = tpu.memref_squeeze %dma_wait3A_255 : memref<1x128xi32, #tpu.memory_space<vmem>> -> memref<128xi32, #tpu.memory_space<vmem>>
      %dma_wait3A_257 = arith.constant 0 : i32
      %dma_wait3A_258 = tpu.memref_slice %arg7[%dma_wait3A_257] : memref<10240xf32, #tpu.memory_space<vmem_shared>> -> memref<10240xf32, #tpu.memory_space<vmem_shared>>
      tpu.wait_indirect_dma semaphore(%arg8 : memref<!tpu.dma_semaphore, #tpu.memory_space<semaphore_mem>>) src(%arg5 : memref<128xf32, #tpu.memory_space<vmem>>) dst(%dma_wait3A_258 : memref<10240xf32, #tpu.memory_space<vmem_shared>>)
    }
    %scan3A_24 = arith.constant 5 : i32
    %barrier3A_25 = arith.constant 0 : index
    tpu.barrier barrier_id(%barrier3A_25)
    %mul3A_26 = arith.constant 640 : i32
    %mul3A_27 = arith.muli %arg1, %mul3A_26 : i32
    %mul3A_28 = arith.constant 640 : i32
    %mul3A_29 = arith.muli %arg1, %mul3A_28 : i32
    "tpu.region"() ({
      %run_scoped3A = tpu.sem_alloc : memref<!tpu.dma_semaphore, #tpu.memory_space<semaphore_mem>>
      %dma_start3A_30 = tpu.memref_slice %arg3[%arg0, %mul3A_29] : memref<2x10240xf32, #tpu.memory_space<hbm>> -> memref<1x640xf32, #tpu.memory_space<hbm>>
      %dma_start3A_31 = tpu.memref_squeeze %dma_start3A_30 : memref<1x640xf32, #tpu.memory_space<hbm>> -> memref<640xf32, #tpu.memory_space<hbm>>
      %dma_start3A_32 = tpu.memref_slice %arg7[%mul3A_27] : memref<10240xf32, #tpu.memory_space<vmem_shared>> -> memref<640xf32, #tpu.memory_space<vmem_shared>>
      tpu.enqueue_dma source(%dma_start3A_32 : memref<640xf32, #tpu.memory_space<vmem_shared>>) target(%dma_start3A_31 : memref<640xf32, #tpu.memory_space<hbm>>) target_semaphore(%run_scoped3A : memref<!tpu.dma_semaphore, #tpu.memory_space<semaphore_mem>>)
      %dma_wait3A_33 = tpu.memref_slice %arg3[%arg0, %mul3A_29] : memref<2x10240xf32, #tpu.memory_space<hbm>> -> memref<1x640xf32, #tpu.memory_space<hbm>>
      %dma_wait3A_34 = tpu.memref_squeeze %dma_wait3A_33 : memref<1x640xf32, #tpu.memory_space<hbm>> -> memref<640xf32, #tpu.memory_space<hbm>>
      %dma_wait3A_35 = tpu.memref_slice %arg7[%mul3A_27] : memref<10240xf32, #tpu.memory_space<vmem_shared>> -> memref<640xf32, #tpu.memory_space<vmem_shared>>
      tpu.wait_dma2 semaphore(%run_scoped3A : memref<!tpu.dma_semaphore, #tpu.memory_space<semaphore_mem>>) src(%dma_wait3A_35 : memref<640xf32, #tpu.memory_space<vmem_shared>>) dst(%dma_wait3A_34 : memref<640xf32, #tpu.memory_space<hbm>>)
      tpu.yield
    }) : () -> ()
    return
  }
}

#map = affine_map<(d0, d1) -> (0, 0)>
#map1 = affine_map<(d0, d1) -> (0, 0, 0)>
module attributes {stable_mosaic.version = 14 : i64} {
  func.func @spmm_kernel(%arg0: i32, %arg1: i32, %arg2: memref<10000x128xf32, #tpu.memory_space<hbm>>, %arg3: memref<2560x128xi32, #tpu.memory_space<hbm>>, %arg4: memref<2560x128xi32, #tpu.memory_space<hbm>>, %arg5: memref<2x10240x128xf32, #tpu.memory_space<hbm>>, %arg6: memref<40x128xi32, #tpu.memory_space<vmem>>, %arg7: memref<40x128xi32, #tpu.memory_space<vmem>>, %arg8: memref<128x128xf32, #tpu.memory_space<vmem>>, %arg9: memref<128x128xf32, #tpu.memory_space<vmem>>, %arg10: memref<10240x128xf32, #tpu.memory_space<vmem_shared>>, %arg11: memref<!tpu.dma_semaphore, #tpu.memory_space<semaphore_mem>>, %arg12: memref<!tpu.dma_semaphore, #tpu.memory_space<semaphore_mem>>, %arg13: memref<!tpu.dma_semaphore, #tpu.memory_space<semaphore_mem>>, %arg14: memref<!tpu.dma_semaphore, #tpu.memory_space<semaphore_mem>>) attributes {dimension_semantics = [#tpu.dimension_semantics<core_parallel>, #tpu.dimension_semantics<subcore_parallel>], iteration_bounds = array<i64: 2, 16>, scalar_prefetch = 0 : i64, scratch_operands = 9 : i64, tpu.core_type = #tpu.core_type<sc_vector_subcore>, window_params = [{transform_indices = #map}, {transform_indices = #map}, {transform_indices = #map}, {transform_indices = #map1}]} {
    %mul3A = arith.constant 16 : i32
    %mul3A_0 = arith.muli %arg0, %mul3A : i32
    %add3A = arith.addi %mul3A_0, %arg1 : i32
    %mul3A_1 = arith.constant 80 : i32
    %mul3A_2 = arith.muli %add3A, %mul3A_1 : i32
    %mul3A_3 = arith.constant 80 : i32
    %mul3A_4 = arith.muli %add3A, %mul3A_3 : i32
    %dma_start3A = arith.constant 0 : i32
    %dma_start3A_5 = tpu.memref_slice %arg3[%mul3A_2, %dma_start3A] : memref<2560x128xi32, #tpu.memory_space<hbm>> -> memref<40x128xi32, #tpu.memory_space<hbm>>
    %dma_start3A_6 = arith.constant 0 : i32
    %dma_start3A_7 = tpu.memref_slice %arg3[%mul3A_2, %dma_start3A_6] : memref<2560x128xi32, #tpu.memory_space<hbm>> -> memref<40x128xi32, #tpu.memory_space<hbm>>
    tpu.enqueue_dma source(%dma_start3A_7 : memref<40x128xi32, #tpu.memory_space<hbm>>) target(%arg6 : memref<40x128xi32, #tpu.memory_space<vmem>>) target_semaphore(%arg13 : memref<!tpu.dma_semaphore, #tpu.memory_space<semaphore_mem>>)
    %dma_start3A_8 = arith.constant 0 : i32
    %dma_start3A_9 = tpu.memref_slice %arg4[%mul3A_4, %dma_start3A_8] : memref<2560x128xi32, #tpu.memory_space<hbm>> -> memref<40x128xi32, #tpu.memory_space<hbm>>
    %dma_start3A_10 = arith.constant 0 : i32
    %dma_start3A_11 = tpu.memref_slice %arg4[%mul3A_4, %dma_start3A_10] : memref<2560x128xi32, #tpu.memory_space<hbm>> -> memref<40x128xi32, #tpu.memory_space<hbm>>
    tpu.enqueue_dma source(%dma_start3A_11 : memref<40x128xi32, #tpu.memory_space<hbm>>) target(%arg7 : memref<40x128xi32, #tpu.memory_space<vmem>>) target_semaphore(%arg14 : memref<!tpu.dma_semaphore, #tpu.memory_space<semaphore_mem>>)
    %scan3A = arith.constant 0 : i32
    %scan3A_12 = arith.constant 16 : i32
    %scan3A_13 = arith.addi %scan3A, %scan3A_12 : i32
    %scan3A_14 = arith.constant 1 : i32
    scf.for %scan3A_163 = %scan3A to %scan3A_13 step %scan3A_14  : i32 {
      %mul3A_164 = arith.constant 1 : i32
      %mul3A_165 = arith.muli %scan3A_163, %mul3A_164 : i32
      %add3A_166 = arith.constant 0 : i32
      %add3A_167 = arith.addi %add3A_166, %mul3A_165 : i32
      %scan3A_168 = arith.constant 0 : i32
      %scan3A_169 = arith.constant 8 : i32
      %scan3A_170 = arith.addi %scan3A_168, %scan3A_169 : i32
      %scan3A_171 = arith.constant 1 : i32
      scf.for %scan3A_173 = %scan3A_168 to %scan3A_170 step %scan3A_171  : i32 {
        %mul3A_174 = arith.constant 16 : i32
        %mul3A_175 = arith.muli %scan3A_173, %mul3A_174 : i32
        %add3A_176 = arith.constant 0 : i32
        %add3A_177 = arith.addi %add3A_176, %mul3A_175 : i32
        %broadcast_in_dim3A = arith.constant 0.000000e+00 : f32
        %broadcast_in_dim3A_178 = vector.broadcast %broadcast_in_dim3A : f32 to vector<16xf32>
        %swap3A = arith.index_cast %add3A_167 : i32 to index
        %swap3A_179 = arith.index_cast %add3A_177 : i32 to index
        %swap3A_180 = tpu.vector_load %arg8[%swap3A, %swap3A_179] {strides = array<i32>} : memref<128x128xf32, #tpu.memory_space<vmem>>, vector<1x16xf32>,
        %swap3A_181 = vector.shape_cast %swap3A_180 : vector<1x16xf32> to vector<16xf32>
        %swap3A_182 = vector.shape_cast %broadcast_in_dim3A_178 : vector<16xf32> to vector<1x16xf32>
        tpu.vector_store %arg8[%swap3A, %swap3A_179], %swap3A_182 {strides = array<i32>} : memref<128x128xf32, #tpu.memory_space<vmem>>, vector<1x16xf32>,
      }
      %scan3A_172 = arith.constant 8 : i32
    }
    %scan3A_15 = arith.constant 16 : i32
    %scan3A_16 = arith.constant 0 : i32
    %scan3A_17 = arith.constant 5 : i32
    %scan3A_18 = arith.addi %scan3A_16, %scan3A_17 : i32
    %scan3A_19 = arith.constant 1 : i32
    scf.for %scan3A_163 = %scan3A_16 to %scan3A_18 step %scan3A_19  : i32 {
      %mul3A_164 = arith.constant 128 : i32
      %mul3A_165 = arith.muli %scan3A_163, %mul3A_164 : i32
      %add3A_166 = arith.constant 0 : i32
      %add3A_167 = arith.addi %add3A_166, %mul3A_165 : i32
      %mul3A_168 = arith.constant 640 : i32
      %mul3A_169 = arith.muli %arg1, %mul3A_168 : i32
      %add3A_170 = arith.addi %mul3A_169, %add3A_167 : i32
      %add3A_171 = arith.constant 0 : i32
      %add3A_172 = arith.addi %add3A_170, %add3A_171 : i32
      %dma_start3A_173 = arith.constant 0 : i32
      %dma_start3A_174 = arith.constant 0 : i32
      %dma_start3A_175 = tpu.memref_slice %arg8[%dma_start3A_173, %dma_start3A_174] : memref<128x128xf32, #tpu.memory_space<vmem>> -> memref<16x128xf32, #tpu.memory_space<vmem>>
      %dma_start3A_176 = arith.constant 0 : i32
      %dma_start3A_177 = tpu.memref_slice %arg10[%add3A_172, %dma_start3A_176] : memref<10240x128xf32, #tpu.memory_space<vmem_shared>> -> memref<16x128xf32, #tpu.memory_space<vmem_shared>>
      %dma_start3A_178 = arith.constant 0 : i32
      %dma_start3A_179 = tpu.memref_slice %arg10[%add3A_172, %dma_start3A_178] : memref<10240x128xf32, #tpu.memory_space<vmem_shared>> -> memref<16x128xf32, #tpu.memory_space<vmem_shared>>
      %dma_start3A_180 = arith.constant 0 : i32
      %dma_start3A_181 = arith.constant 0 : i32
      %dma_start3A_182 = tpu.memref_slice %arg8[%dma_start3A_180, %dma_start3A_181] : memref<128x128xf32, #tpu.memory_space<vmem>> -> memref<16x128xf32, #tpu.memory_space<vmem>>
      tpu.enqueue_dma source(%dma_start3A_182 : memref<16x128xf32, #tpu.memory_space<vmem>>) target(%dma_start3A_179 : memref<16x128xf32, #tpu.memory_space<vmem_shared>>) target_semaphore(%arg11 : memref<!tpu.dma_semaphore, #tpu.memory_space<semaphore_mem>>)
      %mul3A_183 = arith.constant 640 : i32
      %mul3A_184 = arith.muli %arg1, %mul3A_183 : i32
      %add3A_185 = arith.addi %mul3A_184, %add3A_167 : i32
      %add3A_186 = arith.constant 16 : i32
      %add3A_187 = arith.addi %add3A_185, %add3A_186 : i32
      %dma_start3A_188 = arith.constant 0 : i32
      %dma_start3A_189 = arith.constant 0 : i32
      %dma_start3A_190 = tpu.memref_slice %arg8[%dma_start3A_188, %dma_start3A_189] : memref<128x128xf32, #tpu.memory_space<vmem>> -> memref<16x128xf32, #tpu.memory_space<vmem>>
      %dma_start3A_191 = arith.constant 0 : i32
      %dma_start3A_192 = tpu.memref_slice %arg10[%add3A_187, %dma_start3A_191] : memref<10240x128xf32, #tpu.memory_space<vmem_shared>> -> memref<16x128xf32, #tpu.memory_space<vmem_shared>>
      %dma_start3A_193 = arith.constant 0 : i32
      %dma_start3A_194 = tpu.memref_slice %arg10[%add3A_187, %dma_start3A_193] : memref<10240x128xf32, #tpu.memory_space<vmem_shared>> -> memref<16x128xf32, #tpu.memory_space<vmem_shared>>
      %dma_start3A_195 = arith.constant 0 : i32
      %dma_start3A_196 = arith.constant 0 : i32
      %dma_start3A_197 = tpu.memref_slice %arg8[%dma_start3A_195, %dma_start3A_196] : memref<128x128xf32, #tpu.memory_space<vmem>> -> memref<16x128xf32, #tpu.memory_space<vmem>>
      tpu.enqueue_dma source(%dma_start3A_197 : memref<16x128xf32, #tpu.memory_space<vmem>>) target(%dma_start3A_194 : memref<16x128xf32, #tpu.memory_space<vmem_shared>>) target_semaphore(%arg11 : memref<!tpu.dma_semaphore, #tpu.memory_space<semaphore_mem>>)
      %mul3A_198 = arith.constant 640 : i32
      %mul3A_199 = arith.muli %arg1, %mul3A_198 : i32
      %add3A_200 = arith.addi %mul3A_199, %add3A_167 : i32
      %add3A_201 = arith.constant 32 : i32
      %add3A_202 = arith.addi %add3A_200, %add3A_201 : i32
      %dma_start3A_203 = arith.constant 0 : i32
      %dma_start3A_204 = arith.constant 0 : i32
      %dma_start3A_205 = tpu.memref_slice %arg8[%dma_start3A_203, %dma_start3A_204] : memref<128x128xf32, #tpu.memory_space<vmem>> -> memref<16x128xf32, #tpu.memory_space<vmem>>
      %dma_start3A_206 = arith.constant 0 : i32
      %dma_start3A_207 = tpu.memref_slice %arg10[%add3A_202, %dma_start3A_206] : memref<10240x128xf32, #tpu.memory_space<vmem_shared>> -> memref<16x128xf32, #tpu.memory_space<vmem_shared>>
      %dma_start3A_208 = arith.constant 0 : i32
      %dma_start3A_209 = tpu.memref_slice %arg10[%add3A_202, %dma_start3A_208] : memref<10240x128xf32, #tpu.memory_space<vmem_shared>> -> memref<16x128xf32, #tpu.memory_space<vmem_shared>>
      %dma_start3A_210 = arith.constant 0 : i32
      %dma_start3A_211 = arith.constant 0 : i32
      %dma_start3A_212 = tpu.memref_slice %arg8[%dma_start3A_210, %dma_start3A_211] : memref<128x128xf32, #tpu.memory_space<vmem>> -> memref<16x128xf32, #tpu.memory_space<vmem>>
      tpu.enqueue_dma source(%dma_start3A_212 : memref<16x128xf32, #tpu.memory_space<vmem>>) target(%dma_start3A_209 : memref<16x128xf32, #tpu.memory_space<vmem_shared>>) target_semaphore(%arg11 : memref<!tpu.dma_semaphore, #tpu.memory_space<semaphore_mem>>)
      %mul3A_213 = arith.constant 640 : i32
      %mul3A_214 = arith.muli %arg1, %mul3A_213 : i32
      %add3A_215 = arith.addi %mul3A_214, %add3A_167 : i32
      %add3A_216 = arith.constant 48 : i32
      %add3A_217 = arith.addi %add3A_215, %add3A_216 : i32
      %dma_start3A_218 = arith.constant 0 : i32
      %dma_start3A_219 = arith.constant 0 : i32
      %dma_start3A_220 = tpu.memref_slice %arg8[%dma_start3A_218, %dma_start3A_219] : memref<128x128xf32, #tpu.memory_space<vmem>> -> memref<16x128xf32, #tpu.memory_space<vmem>>
      %dma_start3A_221 = arith.constant 0 : i32
      %dma_start3A_222 = tpu.memref_slice %arg10[%add3A_217, %dma_start3A_221] : memref<10240x128xf32, #tpu.memory_space<vmem_shared>> -> memref<16x128xf32, #tpu.memory_space<vmem_shared>>
      %dma_start3A_223 = arith.constant 0 : i32
      %dma_start3A_224 = tpu.memref_slice %arg10[%add3A_217, %dma_start3A_223] : memref<10240x128xf32, #tpu.memory_space<vmem_shared>> -> memref<16x128xf32, #tpu.memory_space<vmem_shared>>
      %dma_start3A_225 = arith.constant 0 : i32
      %dma_start3A_226 = arith.constant 0 : i32
      %dma_start3A_227 = tpu.memref_slice %arg8[%dma_start3A_225, %dma_start3A_226] : memref<128x128xf32, #tpu.memory_space<vmem>> -> memref<16x128xf32, #tpu.memory_space<vmem>>
      tpu.enqueue_dma source(%dma_start3A_227 : memref<16x128xf32, #tpu.memory_space<vmem>>) target(%dma_start3A_224 : memref<16x128xf32, #tpu.memory_space<vmem_shared>>) target_semaphore(%arg11 : memref<!tpu.dma_semaphore, #tpu.memory_space<semaphore_mem>>)
      %mul3A_228 = arith.constant 640 : i32
      %mul3A_229 = arith.muli %arg1, %mul3A_228 : i32
      %add3A_230 = arith.addi %mul3A_229, %add3A_167 : i32
      %add3A_231 = arith.constant 64 : i32
      %add3A_232 = arith.addi %add3A_230, %add3A_231 : i32
      %dma_start3A_233 = arith.constant 0 : i32
      %dma_start3A_234 = arith.constant 0 : i32
      %dma_start3A_235 = tpu.memref_slice %arg8[%dma_start3A_233, %dma_start3A_234] : memref<128x128xf32, #tpu.memory_space<vmem>> -> memref<16x128xf32, #tpu.memory_space<vmem>>
      %dma_start3A_236 = arith.constant 0 : i32
      %dma_start3A_237 = tpu.memref_slice %arg10[%add3A_232, %dma_start3A_236] : memref<10240x128xf32, #tpu.memory_space<vmem_shared>> -> memref<16x128xf32, #tpu.memory_space<vmem_shared>>
      %dma_start3A_238 = arith.constant 0 : i32
      %dma_start3A_239 = tpu.memref_slice %arg10[%add3A_232, %dma_start3A_238] : memref<10240x128xf32, #tpu.memory_space<vmem_shared>> -> memref<16x128xf32, #tpu.memory_space<vmem_shared>>
      %dma_start3A_240 = arith.constant 0 : i32
      %dma_start3A_241 = arith.constant 0 : i32
      %dma_start3A_242 = tpu.memref_slice %arg8[%dma_start3A_240, %dma_start3A_241] : memref<128x128xf32, #tpu.memory_space<vmem>> -> memref<16x128xf32, #tpu.memory_space<vmem>>
      tpu.enqueue_dma source(%dma_start3A_242 : memref<16x128xf32, #tpu.memory_space<vmem>>) target(%dma_start3A_239 : memref<16x128xf32, #tpu.memory_space<vmem_shared>>) target_semaphore(%arg11 : memref<!tpu.dma_semaphore, #tpu.memory_space<semaphore_mem>>)
      %mul3A_243 = arith.constant 640 : i32
      %mul3A_244 = arith.muli %arg1, %mul3A_243 : i32
      %add3A_245 = arith.addi %mul3A_244, %add3A_167 : i32
      %add3A_246 = arith.constant 80 : i32
      %add3A_247 = arith.addi %add3A_245, %add3A_246 : i32
      %dma_start3A_248 = arith.constant 0 : i32
      %dma_start3A_249 = arith.constant 0 : i32
      %dma_start3A_250 = tpu.memref_slice %arg8[%dma_start3A_248, %dma_start3A_249] : memref<128x128xf32, #tpu.memory_space<vmem>> -> memref<16x128xf32, #tpu.memory_space<vmem>>
      %dma_start3A_251 = arith.constant 0 : i32
      %dma_start3A_252 = tpu.memref_slice %arg10[%add3A_247, %dma_start3A_251] : memref<10240x128xf32, #tpu.memory_space<vmem_shared>> -> memref<16x128xf32, #tpu.memory_space<vmem_shared>>
      %dma_start3A_253 = arith.constant 0 : i32
      %dma_start3A_254 = tpu.memref_slice %arg10[%add3A_247, %dma_start3A_253] : memref<10240x128xf32, #tpu.memory_space<vmem_shared>> -> memref<16x128xf32, #tpu.memory_space<vmem_shared>>
      %dma_start3A_255 = arith.constant 0 : i32
      %dma_start3A_256 = arith.constant 0 : i32
      %dma_start3A_257 = tpu.memref_slice %arg8[%dma_start3A_255, %dma_start3A_256] : memref<128x128xf32, #tpu.memory_space<vmem>> -> memref<16x128xf32, #tpu.memory_space<vmem>>
      tpu.enqueue_dma source(%dma_start3A_257 : memref<16x128xf32, #tpu.memory_space<vmem>>) target(%dma_start3A_254 : memref<16x128xf32, #tpu.memory_space<vmem_shared>>) target_semaphore(%arg11 : memref<!tpu.dma_semaphore, #tpu.memory_space<semaphore_mem>>)
      %mul3A_258 = arith.constant 640 : i32
      %mul3A_259 = arith.muli %arg1, %mul3A_258 : i32
      %add3A_260 = arith.addi %mul3A_259, %add3A_167 : i32
      %add3A_261 = arith.constant 96 : i32
      %add3A_262 = arith.addi %add3A_260, %add3A_261 : i32
      %dma_start3A_263 = arith.constant 0 : i32
      %dma_start3A_264 = arith.constant 0 : i32
      %dma_start3A_265 = tpu.memref_slice %arg8[%dma_start3A_263, %dma_start3A_264] : memref<128x128xf32, #tpu.memory_space<vmem>> -> memref<16x128xf32, #tpu.memory_space<vmem>>
      %dma_start3A_266 = arith.constant 0 : i32
      %dma_start3A_267 = tpu.memref_slice %arg10[%add3A_262, %dma_start3A_266] : memref<10240x128xf32, #tpu.memory_space<vmem_shared>> -> memref<16x128xf32, #tpu.memory_space<vmem_shared>>
      %dma_start3A_268 = arith.constant 0 : i32
      %dma_start3A_269 = tpu.memref_slice %arg10[%add3A_262, %dma_start3A_268] : memref<10240x128xf32, #tpu.memory_space<vmem_shared>> -> memref<16x128xf32, #tpu.memory_space<vmem_shared>>
      %dma_start3A_270 = arith.constant 0 : i32
      %dma_start3A_271 = arith.constant 0 : i32
      %dma_start3A_272 = tpu.memref_slice %arg8[%dma_start3A_270, %dma_start3A_271] : memref<128x128xf32, #tpu.memory_space<vmem>> -> memref<16x128xf32, #tpu.memory_space<vmem>>
      tpu.enqueue_dma source(%dma_start3A_272 : memref<16x128xf32, #tpu.memory_space<vmem>>) target(%dma_start3A_269 : memref<16x128xf32, #tpu.memory_space<vmem_shared>>) target_semaphore(%arg11 : memref<!tpu.dma_semaphore, #tpu.memory_space<semaphore_mem>>)
      %mul3A_273 = arith.constant 640 : i32
      %mul3A_274 = arith.muli %arg1, %mul3A_273 : i32
      %add3A_275 = arith.addi %mul3A_274, %add3A_167 : i32
      %add3A_276 = arith.constant 112 : i32
      %add3A_277 = arith.addi %add3A_275, %add3A_276 : i32
      %dma_start3A_278 = arith.constant 0 : i32
      %dma_start3A_279 = arith.constant 0 : i32
      %dma_start3A_280 = tpu.memref_slice %arg8[%dma_start3A_278, %dma_start3A_279] : memref<128x128xf32, #tpu.memory_space<vmem>> -> memref<16x128xf32, #tpu.memory_space<vmem>>
      %dma_start3A_281 = arith.constant 0 : i32
      %dma_start3A_282 = tpu.memref_slice %arg10[%add3A_277, %dma_start3A_281] : memref<10240x128xf32, #tpu.memory_space<vmem_shared>> -> memref<16x128xf32, #tpu.memory_space<vmem_shared>>
      %dma_start3A_283 = arith.constant 0 : i32
      %dma_start3A_284 = tpu.memref_slice %arg10[%add3A_277, %dma_start3A_283] : memref<10240x128xf32, #tpu.memory_space<vmem_shared>> -> memref<16x128xf32, #tpu.memory_space<vmem_shared>>
      %dma_start3A_285 = arith.constant 0 : i32
      %dma_start3A_286 = arith.constant 0 : i32
      %dma_start3A_287 = tpu.memref_slice %arg8[%dma_start3A_285, %dma_start3A_286] : memref<128x128xf32, #tpu.memory_space<vmem>> -> memref<16x128xf32, #tpu.memory_space<vmem>>
      tpu.enqueue_dma source(%dma_start3A_287 : memref<16x128xf32, #tpu.memory_space<vmem>>) target(%dma_start3A_284 : memref<16x128xf32, #tpu.memory_space<vmem_shared>>) target_semaphore(%arg11 : memref<!tpu.dma_semaphore, #tpu.memory_space<semaphore_mem>>)
      %mul3A_288 = arith.constant 640 : i32
      %mul3A_289 = arith.muli %arg1, %mul3A_288 : i32
      %add3A_290 = arith.addi %mul3A_289, %add3A_167 : i32
      %add3A_291 = arith.constant 0 : i32
      %add3A_292 = arith.addi %add3A_290, %add3A_291 : i32
      %dma_wait3A_293 = arith.constant 0 : i32
      %dma_wait3A_294 = arith.constant 0 : i32
      %dma_wait3A_295 = tpu.memref_slice %arg8[%dma_wait3A_293, %dma_wait3A_294] : memref<128x128xf32, #tpu.memory_space<vmem>> -> memref<16x128xf32, #tpu.memory_space<vmem>>
      %dma_wait3A_296 = arith.constant 0 : i32
      %dma_wait3A_297 = tpu.memref_slice %arg10[%add3A_292, %dma_wait3A_296] : memref<10240x128xf32, #tpu.memory_space<vmem_shared>> -> memref<16x128xf32, #tpu.memory_space<vmem_shared>>
      %dma_wait3A_298 = arith.constant 0 : i32
      %dma_wait3A_299 = tpu.memref_slice %arg10[%add3A_292, %dma_wait3A_298] : memref<10240x128xf32, #tpu.memory_space<vmem_shared>> -> memref<16x128xf32, #tpu.memory_space<vmem_shared>>
      %dma_wait3A_300 = arith.constant 0 : i32
      %dma_wait3A_301 = arith.constant 0 : i32
      %dma_wait3A_302 = tpu.memref_slice %arg8[%dma_wait3A_300, %dma_wait3A_301] : memref<128x128xf32, #tpu.memory_space<vmem>> -> memref<16x128xf32, #tpu.memory_space<vmem>>
      tpu.wait_dma2 semaphore(%arg11 : memref<!tpu.dma_semaphore, #tpu.memory_space<semaphore_mem>>) src(%dma_wait3A_302 : memref<16x128xf32, #tpu.memory_space<vmem>>) dst(%dma_wait3A_299 : memref<16x128xf32, #tpu.memory_space<vmem_shared>>)
      %mul3A_303 = arith.constant 640 : i32
      %mul3A_304 = arith.muli %arg1, %mul3A_303 : i32
      %add3A_305 = arith.addi %mul3A_304, %add3A_167 : i32
      %add3A_306 = arith.constant 16 : i32
      %add3A_307 = arith.addi %add3A_305, %add3A_306 : i32
      %dma_wait3A_308 = arith.constant 0 : i32
      %dma_wait3A_309 = arith.constant 0 : i32
      %dma_wait3A_310 = tpu.memref_slice %arg8[%dma_wait3A_308, %dma_wait3A_309] : memref<128x128xf32, #tpu.memory_space<vmem>> -> memref<16x128xf32, #tpu.memory_space<vmem>>
      %dma_wait3A_311 = arith.constant 0 : i32
      %dma_wait3A_312 = tpu.memref_slice %arg10[%add3A_307, %dma_wait3A_311] : memref<10240x128xf32, #tpu.memory_space<vmem_shared>> -> memref<16x128xf32, #tpu.memory_space<vmem_shared>>
      %dma_wait3A_313 = arith.constant 0 : i32
      %dma_wait3A_314 = tpu.memref_slice %arg10[%add3A_307, %dma_wait3A_313] : memref<10240x128xf32, #tpu.memory_space<vmem_shared>> -> memref<16x128xf32, #tpu.memory_space<vmem_shared>>
      %dma_wait3A_315 = arith.constant 0 : i32
      %dma_wait3A_316 = arith.constant 0 : i32
      %dma_wait3A_317 = tpu.memref_slice %arg8[%dma_wait3A_315, %dma_wait3A_316] : memref<128x128xf32, #tpu.memory_space<vmem>> -> memref<16x128xf32, #tpu.memory_space<vmem>>
      tpu.wait_dma2 semaphore(%arg11 : memref<!tpu.dma_semaphore, #tpu.memory_space<semaphore_mem>>) src(%dma_wait3A_317 : memref<16x128xf32, #tpu.memory_space<vmem>>) dst(%dma_wait3A_314 : memref<16x128xf32, #tpu.memory_space<vmem_shared>>)
      %mul3A_318 = arith.constant 640 : i32
      %mul3A_319 = arith.muli %arg1, %mul3A_318 : i32
      %add3A_320 = arith.addi %mul3A_319, %add3A_167 : i32
      %add3A_321 = arith.constant 32 : i32
      %add3A_322 = arith.addi %add3A_320, %add3A_321 : i32
      %dma_wait3A_323 = arith.constant 0 : i32
      %dma_wait3A_324 = arith.constant 0 : i32
      %dma_wait3A_325 = tpu.memref_slice %arg8[%dma_wait3A_323, %dma_wait3A_324] : memref<128x128xf32, #tpu.memory_space<vmem>> -> memref<16x128xf32, #tpu.memory_space<vmem>>
      %dma_wait3A_326 = arith.constant 0 : i32
      %dma_wait3A_327 = tpu.memref_slice %arg10[%add3A_322, %dma_wait3A_326] : memref<10240x128xf32, #tpu.memory_space<vmem_shared>> -> memref<16x128xf32, #tpu.memory_space<vmem_shared>>
      %dma_wait3A_328 = arith.constant 0 : i32
      %dma_wait3A_329 = tpu.memref_slice %arg10[%add3A_322, %dma_wait3A_328] : memref<10240x128xf32, #tpu.memory_space<vmem_shared>> -> memref<16x128xf32, #tpu.memory_space<vmem_shared>>
      %dma_wait3A_330 = arith.constant 0 : i32
      %dma_wait3A_331 = arith.constant 0 : i32
      %dma_wait3A_332 = tpu.memref_slice %arg8[%dma_wait3A_330, %dma_wait3A_331] : memref<128x128xf32, #tpu.memory_space<vmem>> -> memref<16x128xf32, #tpu.memory_space<vmem>>
      tpu.wait_dma2 semaphore(%arg11 : memref<!tpu.dma_semaphore, #tpu.memory_space<semaphore_mem>>) src(%dma_wait3A_332 : memref<16x128xf32, #tpu.memory_space<vmem>>) dst(%dma_wait3A_329 : memref<16x128xf32, #tpu.memory_space<vmem_shared>>)
      %mul3A_333 = arith.constant 640 : i32
      %mul3A_334 = arith.muli %arg1, %mul3A_333 : i32
      %add3A_335 = arith.addi %mul3A_334, %add3A_167 : i32
      %add3A_336 = arith.constant 48 : i32
      %add3A_337 = arith.addi %add3A_335, %add3A_336 : i32
      %dma_wait3A_338 = arith.constant 0 : i32
      %dma_wait3A_339 = arith.constant 0 : i32
      %dma_wait3A_340 = tpu.memref_slice %arg8[%dma_wait3A_338, %dma_wait3A_339] : memref<128x128xf32, #tpu.memory_space<vmem>> -> memref<16x128xf32, #tpu.memory_space<vmem>>
      %dma_wait3A_341 = arith.constant 0 : i32
      %dma_wait3A_342 = tpu.memref_slice %arg10[%add3A_337, %dma_wait3A_341] : memref<10240x128xf32, #tpu.memory_space<vmem_shared>> -> memref<16x128xf32, #tpu.memory_space<vmem_shared>>
      %dma_wait3A_343 = arith.constant 0 : i32
      %dma_wait3A_344 = tpu.memref_slice %arg10[%add3A_337, %dma_wait3A_343] : memref<10240x128xf32, #tpu.memory_space<vmem_shared>> -> memref<16x128xf32, #tpu.memory_space<vmem_shared>>
      %dma_wait3A_345 = arith.constant 0 : i32
      %dma_wait3A_346 = arith.constant 0 : i32
      %dma_wait3A_347 = tpu.memref_slice %arg8[%dma_wait3A_345, %dma_wait3A_346] : memref<128x128xf32, #tpu.memory_space<vmem>> -> memref<16x128xf32, #tpu.memory_space<vmem>>
      tpu.wait_dma2 semaphore(%arg11 : memref<!tpu.dma_semaphore, #tpu.memory_space<semaphore_mem>>) src(%dma_wait3A_347 : memref<16x128xf32, #tpu.memory_space<vmem>>) dst(%dma_wait3A_344 : memref<16x128xf32, #tpu.memory_space<vmem_shared>>)
      %mul3A_348 = arith.constant 640 : i32
      %mul3A_349 = arith.muli %arg1, %mul3A_348 : i32
      %add3A_350 = arith.addi %mul3A_349, %add3A_167 : i32
      %add3A_351 = arith.constant 64 : i32
      %add3A_352 = arith.addi %add3A_350, %add3A_351 : i32
      %dma_wait3A_353 = arith.constant 0 : i32
      %dma_wait3A_354 = arith.constant 0 : i32
      %dma_wait3A_355 = tpu.memref_slice %arg8[%dma_wait3A_353, %dma_wait3A_354] : memref<128x128xf32, #tpu.memory_space<vmem>> -> memref<16x128xf32, #tpu.memory_space<vmem>>
      %dma_wait3A_356 = arith.constant 0 : i32
      %dma_wait3A_357 = tpu.memref_slice %arg10[%add3A_352, %dma_wait3A_356] : memref<10240x128xf32, #tpu.memory_space<vmem_shared>> -> memref<16x128xf32, #tpu.memory_space<vmem_shared>>
      %dma_wait3A_358 = arith.constant 0 : i32
      %dma_wait3A_359 = tpu.memref_slice %arg10[%add3A_352, %dma_wait3A_358] : memref<10240x128xf32, #tpu.memory_space<vmem_shared>> -> memref<16x128xf32, #tpu.memory_space<vmem_shared>>
      %dma_wait3A_360 = arith.constant 0 : i32
      %dma_wait3A_361 = arith.constant 0 : i32
      %dma_wait3A_362 = tpu.memref_slice %arg8[%dma_wait3A_360, %dma_wait3A_361] : memref<128x128xf32, #tpu.memory_space<vmem>> -> memref<16x128xf32, #tpu.memory_space<vmem>>
      tpu.wait_dma2 semaphore(%arg11 : memref<!tpu.dma_semaphore, #tpu.memory_space<semaphore_mem>>) src(%dma_wait3A_362 : memref<16x128xf32, #tpu.memory_space<vmem>>) dst(%dma_wait3A_359 : memref<16x128xf32, #tpu.memory_space<vmem_shared>>)
      %mul3A_363 = arith.constant 640 : i32
      %mul3A_364 = arith.muli %arg1, %mul3A_363 : i32
      %add3A_365 = arith.addi %mul3A_364, %add3A_167 : i32
      %add3A_366 = arith.constant 80 : i32
      %add3A_367 = arith.addi %add3A_365, %add3A_366 : i32
      %dma_wait3A_368 = arith.constant 0 : i32
      %dma_wait3A_369 = arith.constant 0 : i32
      %dma_wait3A_370 = tpu.memref_slice %arg8[%dma_wait3A_368, %dma_wait3A_369] : memref<128x128xf32, #tpu.memory_space<vmem>> -> memref<16x128xf32, #tpu.memory_space<vmem>>
      %dma_wait3A_371 = arith.constant 0 : i32
      %dma_wait3A_372 = tpu.memref_slice %arg10[%add3A_367, %dma_wait3A_371] : memref<10240x128xf32, #tpu.memory_space<vmem_shared>> -> memref<16x128xf32, #tpu.memory_space<vmem_shared>>
      %dma_wait3A_373 = arith.constant 0 : i32
      %dma_wait3A_374 = tpu.memref_slice %arg10[%add3A_367, %dma_wait3A_373] : memref<10240x128xf32, #tpu.memory_space<vmem_shared>> -> memref<16x128xf32, #tpu.memory_space<vmem_shared>>
      %dma_wait3A_375 = arith.constant 0 : i32
      %dma_wait3A_376 = arith.constant 0 : i32
      %dma_wait3A_377 = tpu.memref_slice %arg8[%dma_wait3A_375, %dma_wait3A_376] : memref<128x128xf32, #tpu.memory_space<vmem>> -> memref<16x128xf32, #tpu.memory_space<vmem>>
      tpu.wait_dma2 semaphore(%arg11 : memref<!tpu.dma_semaphore, #tpu.memory_space<semaphore_mem>>) src(%dma_wait3A_377 : memref<16x128xf32, #tpu.memory_space<vmem>>) dst(%dma_wait3A_374 : memref<16x128xf32, #tpu.memory_space<vmem_shared>>)
      %mul3A_378 = arith.constant 640 : i32
      %mul3A_379 = arith.muli %arg1, %mul3A_378 : i32
      %add3A_380 = arith.addi %mul3A_379, %add3A_167 : i32
      %add3A_381 = arith.constant 96 : i32
      %add3A_382 = arith.addi %add3A_380, %add3A_381 : i32
      %dma_wait3A_383 = arith.constant 0 : i32
      %dma_wait3A_384 = arith.constant 0 : i32
      %dma_wait3A_385 = tpu.memref_slice %arg8[%dma_wait3A_383, %dma_wait3A_384] : memref<128x128xf32, #tpu.memory_space<vmem>> -> memref<16x128xf32, #tpu.memory_space<vmem>>
      %dma_wait3A_386 = arith.constant 0 : i32
      %dma_wait3A_387 = tpu.memref_slice %arg10[%add3A_382, %dma_wait3A_386] : memref<10240x128xf32, #tpu.memory_space<vmem_shared>> -> memref<16x128xf32, #tpu.memory_space<vmem_shared>>
      %dma_wait3A_388 = arith.constant 0 : i32
      %dma_wait3A_389 = tpu.memref_slice %arg10[%add3A_382, %dma_wait3A_388] : memref<10240x128xf32, #tpu.memory_space<vmem_shared>> -> memref<16x128xf32, #tpu.memory_space<vmem_shared>>
      %dma_wait3A_390 = arith.constant 0 : i32
      %dma_wait3A_391 = arith.constant 0 : i32
      %dma_wait3A_392 = tpu.memref_slice %arg8[%dma_wait3A_390, %dma_wait3A_391] : memref<128x128xf32, #tpu.memory_space<vmem>> -> memref<16x128xf32, #tpu.memory_space<vmem>>
      tpu.wait_dma2 semaphore(%arg11 : memref<!tpu.dma_semaphore, #tpu.memory_space<semaphore_mem>>) src(%dma_wait3A_392 : memref<16x128xf32, #tpu.memory_space<vmem>>) dst(%dma_wait3A_389 : memref<16x128xf32, #tpu.memory_space<vmem_shared>>)
      %mul3A_393 = arith.constant 640 : i32
      %mul3A_394 = arith.muli %arg1, %mul3A_393 : i32
      %add3A_395 = arith.addi %mul3A_394, %add3A_167 : i32
      %add3A_396 = arith.constant 112 : i32
      %add3A_397 = arith.addi %add3A_395, %add3A_396 : i32
      %dma_wait3A_398 = arith.constant 0 : i32
      %dma_wait3A_399 = arith.constant 0 : i32
      %dma_wait3A_400 = tpu.memref_slice %arg8[%dma_wait3A_398, %dma_wait3A_399] : memref<128x128xf32, #tpu.memory_space<vmem>> -> memref<16x128xf32, #tpu.memory_space<vmem>>
      %dma_wait3A_401 = arith.constant 0 : i32
      %dma_wait3A_402 = tpu.memref_slice %arg10[%add3A_397, %dma_wait3A_401] : memref<10240x128xf32, #tpu.memory_space<vmem_shared>> -> memref<16x128xf32, #tpu.memory_space<vmem_shared>>
      %dma_wait3A_403 = arith.constant 0 : i32
      %dma_wait3A_404 = tpu.memref_slice %arg10[%add3A_397, %dma_wait3A_403] : memref<10240x128xf32, #tpu.memory_space<vmem_shared>> -> memref<16x128xf32, #tpu.memory_space<vmem_shared>>
      %dma_wait3A_405 = arith.constant 0 : i32
      %dma_wait3A_406 = arith.constant 0 : i32
      %dma_wait3A_407 = tpu.memref_slice %arg8[%dma_wait3A_405, %dma_wait3A_406] : memref<128x128xf32, #tpu.memory_space<vmem>> -> memref<16x128xf32, #tpu.memory_space<vmem>>
      tpu.wait_dma2 semaphore(%arg11 : memref<!tpu.dma_semaphore, #tpu.memory_space<semaphore_mem>>) src(%dma_wait3A_407 : memref<16x128xf32, #tpu.memory_space<vmem>>) dst(%dma_wait3A_404 : memref<16x128xf32, #tpu.memory_space<vmem_shared>>)
    }
    %scan3A_20 = arith.constant 5 : i32
    %barrier3A = arith.constant 0 : index
    tpu.barrier barrier_id(%barrier3A)
    %mul3A_21 = arith.constant 80 : i32
    %mul3A_22 = arith.muli %add3A, %mul3A_21 : i32
    %add3A_23 = arith.constant 0 : i32
    %add3A_24 = arith.addi %mul3A_22, %add3A_23 : i32
    %dma_wait3A = arith.constant 0 : i32
    %dma_wait3A_25 = tpu.memref_slice %arg3[%mul3A_2, %dma_wait3A] : memref<2560x128xi32, #tpu.memory_space<hbm>> -> memref<40x128xi32, #tpu.memory_space<hbm>>
    %dma_wait3A_26 = arith.constant 0 : i32
    %dma_wait3A_27 = tpu.memref_slice %arg3[%mul3A_2, %dma_wait3A_26] : memref<2560x128xi32, #tpu.memory_space<hbm>> -> memref<40x128xi32, #tpu.memory_space<hbm>>
    tpu.wait_dma2 semaphore(%arg13 : memref<!tpu.dma_semaphore, #tpu.memory_space<semaphore_mem>>) src(%dma_wait3A_27 : memref<40x128xi32, #tpu.memory_space<hbm>>) dst(%arg6 : memref<40x128xi32, #tpu.memory_space<vmem>>)
    %dma_wait3A_28 = arith.constant 0 : i32
    %dma_wait3A_29 = tpu.memref_slice %arg4[%mul3A_4, %dma_wait3A_28] : memref<2560x128xi32, #tpu.memory_space<hbm>> -> memref<40x128xi32, #tpu.memory_space<hbm>>
    %dma_wait3A_30 = arith.constant 0 : i32
    %dma_wait3A_31 = tpu.memref_slice %arg4[%mul3A_4, %dma_wait3A_30] : memref<2560x128xi32, #tpu.memory_space<hbm>> -> memref<40x128xi32, #tpu.memory_space<hbm>>
    tpu.wait_dma2 semaphore(%arg14 : memref<!tpu.dma_semaphore, #tpu.memory_space<semaphore_mem>>) src(%dma_wait3A_31 : memref<40x128xi32, #tpu.memory_space<hbm>>) dst(%arg7 : memref<40x128xi32, #tpu.memory_space<vmem>>)
    %dma_start3A_32 = arith.constant 0 : i32
    %dma_start3A_33 = arith.constant 0 : i32
    %dma_start3A_34 = tpu.memref_slice %arg6[%dma_start3A_32, %dma_start3A_33] : memref<40x128xi32, #tpu.memory_space<vmem>> -> memref<1x128xi32, #tpu.memory_space<vmem>>
    %dma_start3A_35 = tpu.memref_squeeze %dma_start3A_34 : memref<1x128xi32, #tpu.memory_space<vmem>> -> memref<128xi32, #tpu.memory_space<vmem>>
    %dma_start3A_36 = arith.constant 0 : i32
    %dma_start3A_37 = arith.constant 0 : i32
    %dma_start3A_38 = tpu.memref_slice %arg2[%dma_start3A_36, %dma_start3A_37] : memref<10000x128xf32, #tpu.memory_space<hbm>> -> memref<10000x128xf32, #tpu.memory_space<hbm>>
    tpu.enqueue_indirect_dma source(%dma_start3A_38 : memref<10000x128xf32, #tpu.memory_space<hbm>>) target(%arg8 : memref<128x128xf32, #tpu.memory_space<vmem>>) offsets(%dma_start3A_35 : memref<128xi32, #tpu.memory_space<vmem>>) semaphore(%arg11 : memref<!tpu.dma_semaphore, #tpu.memory_space<semaphore_mem>>)
    %dma_start3A_39 = arith.constant 1 : i32
    %dma_start3A_40 = arith.constant 0 : i32
    %dma_start3A_41 = tpu.memref_slice %arg6[%dma_start3A_39, %dma_start3A_40] : memref<40x128xi32, #tpu.memory_space<vmem>> -> memref<1x128xi32, #tpu.memory_space<vmem>>
    %dma_start3A_42 = tpu.memref_squeeze %dma_start3A_41 : memref<1x128xi32, #tpu.memory_space<vmem>> -> memref<128xi32, #tpu.memory_space<vmem>>
    %dma_start3A_43 = arith.constant 0 : i32
    %dma_start3A_44 = arith.constant 0 : i32
    %dma_start3A_45 = tpu.memref_slice %arg2[%dma_start3A_43, %dma_start3A_44] : memref<10000x128xf32, #tpu.memory_space<hbm>> -> memref<10000x128xf32, #tpu.memory_space<hbm>>
    tpu.enqueue_indirect_dma source(%dma_start3A_45 : memref<10000x128xf32, #tpu.memory_space<hbm>>) target(%arg9 : memref<128x128xf32, #tpu.memory_space<vmem>>) offsets(%dma_start3A_42 : memref<128xi32, #tpu.memory_space<vmem>>) semaphore(%arg12 : memref<!tpu.dma_semaphore, #tpu.memory_space<semaphore_mem>>)
    %scan3A_46 = arith.constant 0 : i32
    %scan3A_47 = arith.constant 19 : i32
    %scan3A_48 = arith.addi %scan3A_46, %scan3A_47 : i32
    %scan3A_49 = arith.constant 1 : i32
    scf.for %scan3A_163 = %scan3A_46 to %scan3A_48 step %scan3A_49  : i32 {
      %mul3A_164 = arith.constant 2 : i32
      %mul3A_165 = arith.muli %scan3A_163, %mul3A_164 : i32
      %add3A_166 = arith.constant 0 : i32
      %add3A_167 = arith.addi %add3A_166, %mul3A_165 : i32
      %dma_wait3A_168 = arith.constant 0 : i32
      %dma_wait3A_169 = tpu.memref_slice %arg6[%add3A_167, %dma_wait3A_168] : memref<40x128xi32, #tpu.memory_space<vmem>> -> memref<1x128xi32, #tpu.memory_space<vmem>>
      %dma_wait3A_170 = tpu.memref_squeeze %dma_wait3A_169 : memref<1x128xi32, #tpu.memory_space<vmem>> -> memref<128xi32, #tpu.memory_space<vmem>>
      %dma_wait3A_171 = arith.constant 0 : i32
      %dma_wait3A_172 = arith.constant 0 : i32
      %dma_wait3A_173 = tpu.memref_slice %arg2[%dma_wait3A_171, %dma_wait3A_172] : memref<10000x128xf32, #tpu.memory_space<hbm>> -> memref<10000x128xf32, #tpu.memory_space<hbm>>
      tpu.wait_indirect_dma semaphore(%arg11 : memref<!tpu.dma_semaphore, #tpu.memory_space<semaphore_mem>>) src(%dma_wait3A_173 : memref<10000x128xf32, #tpu.memory_space<hbm>>) dst(%arg8 : memref<128x128xf32, #tpu.memory_space<vmem>>)
      %dma_start3A_174 = arith.constant 0 : i32
      %dma_start3A_175 = tpu.memref_slice %arg7[%add3A_167, %dma_start3A_174] : memref<40x128xi32, #tpu.memory_space<vmem>> -> memref<1x128xi32, #tpu.memory_space<vmem>>
      %dma_start3A_176 = tpu.memref_squeeze %dma_start3A_175 : memref<1x128xi32, #tpu.memory_space<vmem>> -> memref<128xi32, #tpu.memory_space<vmem>>
      %dma_start3A_177 = arith.constant 0 : i32
      %dma_start3A_178 = arith.constant 0 : i32
      %dma_start3A_179 = tpu.memref_slice %arg10[%dma_start3A_177, %dma_start3A_178] : memref<10240x128xf32, #tpu.memory_space<vmem_shared>> -> memref<10240x128xf32, #tpu.memory_space<vmem_shared>>
      tpu.enqueue_indirect_dma source(%arg8 : memref<128x128xf32, #tpu.memory_space<vmem>>) target(%dma_start3A_179 : memref<10240x128xf32, #tpu.memory_space<vmem_shared>>) offsets(%dma_start3A_176 : memref<128xi32, #tpu.memory_space<vmem>>) semaphore(%arg13 : memref<!tpu.dma_semaphore, #tpu.memory_space<semaphore_mem>>) {add = true}
      %add3A_180 = arith.constant 1 : i32
      %add3A_181 = arith.addi %add3A_167, %add3A_180 : i32
      %dma_wait3A_182 = arith.constant 0 : i32
      %dma_wait3A_183 = tpu.memref_slice %arg6[%add3A_181, %dma_wait3A_182] : memref<40x128xi32, #tpu.memory_space<vmem>> -> memref<1x128xi32, #tpu.memory_space<vmem>>
      %dma_wait3A_184 = tpu.memref_squeeze %dma_wait3A_183 : memref<1x128xi32, #tpu.memory_space<vmem>> -> memref<128xi32, #tpu.memory_space<vmem>>
      %dma_wait3A_185 = arith.constant 0 : i32
      %dma_wait3A_186 = arith.constant 0 : i32
      %dma_wait3A_187 = tpu.memref_slice %arg2[%dma_wait3A_185, %dma_wait3A_186] : memref<10000x128xf32, #tpu.memory_space<hbm>> -> memref<10000x128xf32, #tpu.memory_space<hbm>>
      tpu.wait_indirect_dma semaphore(%arg12 : memref<!tpu.dma_semaphore, #tpu.memory_space<semaphore_mem>>) src(%dma_wait3A_187 : memref<10000x128xf32, #tpu.memory_space<hbm>>) dst(%arg9 : memref<128x128xf32, #tpu.memory_space<vmem>>)
      %add3A_188 = arith.constant 1 : i32
      %add3A_189 = arith.addi %add3A_167, %add3A_188 : i32
      %dma_start3A_190 = arith.constant 0 : i32
      %dma_start3A_191 = tpu.memref_slice %arg7[%add3A_189, %dma_start3A_190] : memref<40x128xi32, #tpu.memory_space<vmem>> -> memref<1x128xi32, #tpu.memory_space<vmem>>
      %dma_start3A_192 = tpu.memref_squeeze %dma_start3A_191 : memref<1x128xi32, #tpu.memory_space<vmem>> -> memref<128xi32, #tpu.memory_space<vmem>>
      %dma_start3A_193 = arith.constant 0 : i32
      %dma_start3A_194 = arith.constant 0 : i32
      %dma_start3A_195 = tpu.memref_slice %arg10[%dma_start3A_193, %dma_start3A_194] : memref<10240x128xf32, #tpu.memory_space<vmem_shared>> -> memref<10240x128xf32, #tpu.memory_space<vmem_shared>>
      tpu.enqueue_indirect_dma source(%arg9 : memref<128x128xf32, #tpu.memory_space<vmem>>) target(%dma_start3A_195 : memref<10240x128xf32, #tpu.memory_space<vmem_shared>>) offsets(%dma_start3A_192 : memref<128xi32, #tpu.memory_space<vmem>>) semaphore(%arg14 : memref<!tpu.dma_semaphore, #tpu.memory_space<semaphore_mem>>) {add = true}
      %dma_wait3A_196 = arith.constant 0 : i32
      %dma_wait3A_197 = tpu.memref_slice %arg7[%add3A_167, %dma_wait3A_196] : memref<40x128xi32, #tpu.memory_space<vmem>> -> memref<1x128xi32, #tpu.memory_space<vmem>>
      %dma_wait3A_198 = tpu.memref_squeeze %dma_wait3A_197 : memref<1x128xi32, #tpu.memory_space<vmem>> -> memref<128xi32, #tpu.memory_space<vmem>>
      %dma_wait3A_199 = arith.constant 0 : i32
      %dma_wait3A_200 = arith.constant 0 : i32
      %dma_wait3A_201 = tpu.memref_slice %arg10[%dma_wait3A_199, %dma_wait3A_200] : memref<10240x128xf32, #tpu.memory_space<vmem_shared>> -> memref<10240x128xf32, #tpu.memory_space<vmem_shared>>
      tpu.wait_indirect_dma semaphore(%arg13 : memref<!tpu.dma_semaphore, #tpu.memory_space<semaphore_mem>>) src(%arg8 : memref<128x128xf32, #tpu.memory_space<vmem>>) dst(%dma_wait3A_201 : memref<10240x128xf32, #tpu.memory_space<vmem_shared>>)
      %add3A_202 = arith.constant 2 : i32
      %add3A_203 = arith.addi %add3A_167, %add3A_202 : i32
      %dma_start3A_204 = arith.constant 0 : i32
      %dma_start3A_205 = tpu.memref_slice %arg6[%add3A_203, %dma_start3A_204] : memref<40x128xi32, #tpu.memory_space<vmem>> -> memref<1x128xi32, #tpu.memory_space<vmem>>
      %dma_start3A_206 = tpu.memref_squeeze %dma_start3A_205 : memref<1x128xi32, #tpu.memory_space<vmem>> -> memref<128xi32, #tpu.memory_space<vmem>>
      %dma_start3A_207 = arith.constant 0 : i32
      %dma_start3A_208 = arith.constant 0 : i32
      %dma_start3A_209 = tpu.memref_slice %arg2[%dma_start3A_207, %dma_start3A_208] : memref<10000x128xf32, #tpu.memory_space<hbm>> -> memref<10000x128xf32, #tpu.memory_space<hbm>>
      tpu.enqueue_indirect_dma source(%dma_start3A_209 : memref<10000x128xf32, #tpu.memory_space<hbm>>) target(%arg8 : memref<128x128xf32, #tpu.memory_space<vmem>>) offsets(%dma_start3A_206 : memref<128xi32, #tpu.memory_space<vmem>>) semaphore(%arg11 : memref<!tpu.dma_semaphore, #tpu.memory_space<semaphore_mem>>)
      %add3A_210 = arith.constant 1 : i32
      %add3A_211 = arith.addi %add3A_167, %add3A_210 : i32
      %dma_wait3A_212 = arith.constant 0 : i32
      %dma_wait3A_213 = tpu.memref_slice %arg7[%add3A_211, %dma_wait3A_212] : memref<40x128xi32, #tpu.memory_space<vmem>> -> memref<1x128xi32, #tpu.memory_space<vmem>>
      %dma_wait3A_214 = tpu.memref_squeeze %dma_wait3A_213 : memref<1x128xi32, #tpu.memory_space<vmem>> -> memref<128xi32, #tpu.memory_space<vmem>>
      %dma_wait3A_215 = arith.constant 0 : i32
      %dma_wait3A_216 = arith.constant 0 : i32
      %dma_wait3A_217 = tpu.memref_slice %arg10[%dma_wait3A_215, %dma_wait3A_216] : memref<10240x128xf32, #tpu.memory_space<vmem_shared>> -> memref<10240x128xf32, #tpu.memory_space<vmem_shared>>
      tpu.wait_indirect_dma semaphore(%arg14 : memref<!tpu.dma_semaphore, #tpu.memory_space<semaphore_mem>>) src(%arg9 : memref<128x128xf32, #tpu.memory_space<vmem>>) dst(%dma_wait3A_217 : memref<10240x128xf32, #tpu.memory_space<vmem_shared>>)
      %add3A_218 = arith.constant 3 : i32
      %add3A_219 = arith.addi %add3A_167, %add3A_218 : i32
      %dma_start3A_220 = arith.constant 0 : i32
      %dma_start3A_221 = tpu.memref_slice %arg6[%add3A_219, %dma_start3A_220] : memref<40x128xi32, #tpu.memory_space<vmem>> -> memref<1x128xi32, #tpu.memory_space<vmem>>
      %dma_start3A_222 = tpu.memref_squeeze %dma_start3A_221 : memref<1x128xi32, #tpu.memory_space<vmem>> -> memref<128xi32, #tpu.memory_space<vmem>>
      %dma_start3A_223 = arith.constant 0 : i32
      %dma_start3A_224 = arith.constant 0 : i32
      %dma_start3A_225 = tpu.memref_slice %arg2[%dma_start3A_223, %dma_start3A_224] : memref<10000x128xf32, #tpu.memory_space<hbm>> -> memref<10000x128xf32, #tpu.memory_space<hbm>>
      tpu.enqueue_indirect_dma source(%dma_start3A_225 : memref<10000x128xf32, #tpu.memory_space<hbm>>) target(%arg9 : memref<128x128xf32, #tpu.memory_space<vmem>>) offsets(%dma_start3A_222 : memref<128xi32, #tpu.memory_space<vmem>>) semaphore(%arg12 : memref<!tpu.dma_semaphore, #tpu.memory_space<semaphore_mem>>)
    }
    %scan3A_50 = arith.constant 19 : i32
    %dma_wait3A_51 = arith.constant 38 : i32
    %dma_wait3A_52 = arith.constant 0 : i32
    %dma_wait3A_53 = tpu.memref_slice %arg6[%dma_wait3A_51, %dma_wait3A_52] : memref<40x128xi32, #tpu.memory_space<vmem>> -> memref<1x128xi32, #tpu.memory_space<vmem>>
    %dma_wait3A_54 = tpu.memref_squeeze %dma_wait3A_53 : memref<1x128xi32, #tpu.memory_space<vmem>> -> memref<128xi32, #tpu.memory_space<vmem>>
    %dma_wait3A_55 = arith.constant 0 : i32
    %dma_wait3A_56 = arith.constant 0 : i32
    %dma_wait3A_57 = tpu.memref_slice %arg2[%dma_wait3A_55, %dma_wait3A_56] : memref<10000x128xf32, #tpu.memory_space<hbm>> -> memref<10000x128xf32, #tpu.memory_space<hbm>>
    tpu.wait_indirect_dma semaphore(%arg11 : memref<!tpu.dma_semaphore, #tpu.memory_space<semaphore_mem>>) src(%dma_wait3A_57 : memref<10000x128xf32, #tpu.memory_space<hbm>>) dst(%arg8 : memref<128x128xf32, #tpu.memory_space<vmem>>)
    %dma_start3A_58 = arith.constant 38 : i32
    %dma_start3A_59 = arith.constant 0 : i32
    %dma_start3A_60 = tpu.memref_slice %arg7[%dma_start3A_58, %dma_start3A_59] : memref<40x128xi32, #tpu.memory_space<vmem>> -> memref<1x128xi32, #tpu.memory_space<vmem>>
    %dma_start3A_61 = tpu.memref_squeeze %dma_start3A_60 : memref<1x128xi32, #tpu.memory_space<vmem>> -> memref<128xi32, #tpu.memory_space<vmem>>
    %dma_start3A_62 = arith.constant 0 : i32
    %dma_start3A_63 = arith.constant 0 : i32
    %dma_start3A_64 = tpu.memref_slice %arg10[%dma_start3A_62, %dma_start3A_63] : memref<10240x128xf32, #tpu.memory_space<vmem_shared>> -> memref<10240x128xf32, #tpu.memory_space<vmem_shared>>
    tpu.enqueue_indirect_dma source(%arg8 : memref<128x128xf32, #tpu.memory_space<vmem>>) target(%dma_start3A_64 : memref<10240x128xf32, #tpu.memory_space<vmem_shared>>) offsets(%dma_start3A_61 : memref<128xi32, #tpu.memory_space<vmem>>) semaphore(%arg13 : memref<!tpu.dma_semaphore, #tpu.memory_space<semaphore_mem>>) {add = true}
    %dma_wait3A_65 = arith.constant 39 : i32
    %dma_wait3A_66 = arith.constant 0 : i32
    %dma_wait3A_67 = tpu.memref_slice %arg6[%dma_wait3A_65, %dma_wait3A_66] : memref<40x128xi32, #tpu.memory_space<vmem>> -> memref<1x128xi32, #tpu.memory_space<vmem>>
    %dma_wait3A_68 = tpu.memref_squeeze %dma_wait3A_67 : memref<1x128xi32, #tpu.memory_space<vmem>> -> memref<128xi32, #tpu.memory_space<vmem>>
    %dma_wait3A_69 = arith.constant 0 : i32
    %dma_wait3A_70 = arith.constant 0 : i32
    %dma_wait3A_71 = tpu.memref_slice %arg2[%dma_wait3A_69, %dma_wait3A_70] : memref<10000x128xf32, #tpu.memory_space<hbm>> -> memref<10000x128xf32, #tpu.memory_space<hbm>>
    tpu.wait_indirect_dma semaphore(%arg12 : memref<!tpu.dma_semaphore, #tpu.memory_space<semaphore_mem>>) src(%dma_wait3A_71 : memref<10000x128xf32, #tpu.memory_space<hbm>>) dst(%arg9 : memref<128x128xf32, #tpu.memory_space<vmem>>)
    %dma_start3A_72 = arith.constant 39 : i32
    %dma_start3A_73 = arith.constant 0 : i32
    %dma_start3A_74 = tpu.memref_slice %arg7[%dma_start3A_72, %dma_start3A_73] : memref<40x128xi32, #tpu.memory_space<vmem>> -> memref<1x128xi32, #tpu.memory_space<vmem>>
    %dma_start3A_75 = tpu.memref_squeeze %dma_start3A_74 : memref<1x128xi32, #tpu.memory_space<vmem>> -> memref<128xi32, #tpu.memory_space<vmem>>
    %dma_start3A_76 = arith.constant 0 : i32
    %dma_start3A_77 = arith.constant 0 : i32
    %dma_start3A_78 = tpu.memref_slice %arg10[%dma_start3A_76, %dma_start3A_77] : memref<10240x128xf32, #tpu.memory_space<vmem_shared>> -> memref<10240x128xf32, #tpu.memory_space<vmem_shared>>
    tpu.enqueue_indirect_dma source(%arg9 : memref<128x128xf32, #tpu.memory_space<vmem>>) target(%dma_start3A_78 : memref<10240x128xf32, #tpu.memory_space<vmem_shared>>) offsets(%dma_start3A_75 : memref<128xi32, #tpu.memory_space<vmem>>) semaphore(%arg14 : memref<!tpu.dma_semaphore, #tpu.memory_space<semaphore_mem>>) {add = true}
    %dma_wait3A_79 = arith.constant 38 : i32
    %dma_wait3A_80 = arith.constant 0 : i32
    %dma_wait3A_81 = tpu.memref_slice %arg7[%dma_wait3A_79, %dma_wait3A_80] : memref<40x128xi32, #tpu.memory_space<vmem>> -> memref<1x128xi32, #tpu.memory_space<vmem>>
    %dma_wait3A_82 = tpu.memref_squeeze %dma_wait3A_81 : memref<1x128xi32, #tpu.memory_space<vmem>> -> memref<128xi32, #tpu.memory_space<vmem>>
    %dma_wait3A_83 = arith.constant 0 : i32
    %dma_wait3A_84 = arith.constant 0 : i32
    %dma_wait3A_85 = tpu.memref_slice %arg10[%dma_wait3A_83, %dma_wait3A_84] : memref<10240x128xf32, #tpu.memory_space<vmem_shared>> -> memref<10240x128xf32, #tpu.memory_space<vmem_shared>>
    tpu.wait_indirect_dma semaphore(%arg13 : memref<!tpu.dma_semaphore, #tpu.memory_space<semaphore_mem>>) src(%arg8 : memref<128x128xf32, #tpu.memory_space<vmem>>) dst(%dma_wait3A_85 : memref<10240x128xf32, #tpu.memory_space<vmem_shared>>)
    %dma_wait3A_86 = arith.constant 39 : i32
    %dma_wait3A_87 = arith.constant 0 : i32
    %dma_wait3A_88 = tpu.memref_slice %arg7[%dma_wait3A_86, %dma_wait3A_87] : memref<40x128xi32, #tpu.memory_space<vmem>> -> memref<1x128xi32, #tpu.memory_space<vmem>>
    %dma_wait3A_89 = tpu.memref_squeeze %dma_wait3A_88 : memref<1x128xi32, #tpu.memory_space<vmem>> -> memref<128xi32, #tpu.memory_space<vmem>>
    %dma_wait3A_90 = arith.constant 0 : i32
    %dma_wait3A_91 = arith.constant 0 : i32
    %dma_wait3A_92 = tpu.memref_slice %arg10[%dma_wait3A_90, %dma_wait3A_91] : memref<10240x128xf32, #tpu.memory_space<vmem_shared>> -> memref<10240x128xf32, #tpu.memory_space<vmem_shared>>
    tpu.wait_indirect_dma semaphore(%arg14 : memref<!tpu.dma_semaphore, #tpu.memory_space<semaphore_mem>>) src(%arg9 : memref<128x128xf32, #tpu.memory_space<vmem>>) dst(%dma_wait3A_92 : memref<10240x128xf32, #tpu.memory_space<vmem_shared>>)
    %mul3A_93 = arith.constant 80 : i32
    %mul3A_94 = arith.muli %add3A, %mul3A_93 : i32
    %add3A_95 = arith.constant 40 : i32
    %add3A_96 = arith.addi %mul3A_94, %add3A_95 : i32
    "tpu.region"() ({
      %run_scoped3A = tpu.sem_alloc : memref<!tpu.dma_semaphore, #tpu.memory_space<semaphore_mem>>
      %dma_start3A_163 = arith.constant 0 : i32
      %dma_start3A_164 = tpu.memref_slice %arg3[%add3A_96, %dma_start3A_163] : memref<2560x128xi32, #tpu.memory_space<hbm>> -> memref<40x128xi32, #tpu.memory_space<hbm>>
      %dma_start3A_165 = arith.constant 0 : i32
      %dma_start3A_166 = tpu.memref_slice %arg3[%add3A_96, %dma_start3A_165] : memref<2560x128xi32, #tpu.memory_space<hbm>> -> memref<40x128xi32, #tpu.memory_space<hbm>>
      tpu.enqueue_dma source(%dma_start3A_166 : memref<40x128xi32, #tpu.memory_space<hbm>>) target(%arg6 : memref<40x128xi32, #tpu.memory_space<vmem>>) target_semaphore(%run_scoped3A : memref<!tpu.dma_semaphore, #tpu.memory_space<semaphore_mem>>)
      %dma_wait3A_167 = arith.constant 0 : i32
      %dma_wait3A_168 = tpu.memref_slice %arg3[%add3A_96, %dma_wait3A_167] : memref<2560x128xi32, #tpu.memory_space<hbm>> -> memref<40x128xi32, #tpu.memory_space<hbm>>
      %dma_wait3A_169 = arith.constant 0 : i32
      %dma_wait3A_170 = tpu.memref_slice %arg3[%add3A_96, %dma_wait3A_169] : memref<2560x128xi32, #tpu.memory_space<hbm>> -> memref<40x128xi32, #tpu.memory_space<hbm>>
      tpu.wait_dma2 semaphore(%run_scoped3A : memref<!tpu.dma_semaphore, #tpu.memory_space<semaphore_mem>>) src(%dma_wait3A_170 : memref<40x128xi32, #tpu.memory_space<hbm>>) dst(%arg6 : memref<40x128xi32, #tpu.memory_space<vmem>>)
      tpu.yield
    }) : () -> ()
    "tpu.region"() ({
      %run_scoped3A = tpu.sem_alloc : memref<!tpu.dma_semaphore, #tpu.memory_space<semaphore_mem>>
      %dma_start3A_163 = arith.constant 0 : i32
      %dma_start3A_164 = tpu.memref_slice %arg4[%add3A_96, %dma_start3A_163] : memref<2560x128xi32, #tpu.memory_space<hbm>> -> memref<40x128xi32, #tpu.memory_space<hbm>>
      %dma_start3A_165 = arith.constant 0 : i32
      %dma_start3A_166 = tpu.memref_slice %arg4[%add3A_96, %dma_start3A_165] : memref<2560x128xi32, #tpu.memory_space<hbm>> -> memref<40x128xi32, #tpu.memory_space<hbm>>
      tpu.enqueue_dma source(%dma_start3A_166 : memref<40x128xi32, #tpu.memory_space<hbm>>) target(%arg7 : memref<40x128xi32, #tpu.memory_space<vmem>>) target_semaphore(%run_scoped3A : memref<!tpu.dma_semaphore, #tpu.memory_space<semaphore_mem>>)
      %dma_wait3A_167 = arith.constant 0 : i32
      %dma_wait3A_168 = tpu.memref_slice %arg4[%add3A_96, %dma_wait3A_167] : memref<2560x128xi32, #tpu.memory_space<hbm>> -> memref<40x128xi32, #tpu.memory_space<hbm>>
      %dma_wait3A_169 = arith.constant 0 : i32
      %dma_wait3A_170 = tpu.memref_slice %arg4[%add3A_96, %dma_wait3A_169] : memref<2560x128xi32, #tpu.memory_space<hbm>> -> memref<40x128xi32, #tpu.memory_space<hbm>>
      tpu.wait_dma2 semaphore(%run_scoped3A : memref<!tpu.dma_semaphore, #tpu.memory_space<semaphore_mem>>) src(%dma_wait3A_170 : memref<40x128xi32, #tpu.memory_space<hbm>>) dst(%arg7 : memref<40x128xi32, #tpu.memory_space<vmem>>)
      tpu.yield
    }) : () -> ()
    %dma_start3A_97 = arith.constant 0 : i32
    %dma_start3A_98 = arith.constant 0 : i32
    %dma_start3A_99 = tpu.memref_slice %arg6[%dma_start3A_97, %dma_start3A_98] : memref<40x128xi32, #tpu.memory_space<vmem>> -> memref<1x128xi32, #tpu.memory_space<vmem>>
    %dma_start3A_100 = tpu.memref_squeeze %dma_start3A_99 : memref<1x128xi32, #tpu.memory_space<vmem>> -> memref<128xi32, #tpu.memory_space<vmem>>
    %dma_start3A_101 = arith.constant 0 : i32
    %dma_start3A_102 = arith.constant 0 : i32
    %dma_start3A_103 = tpu.memref_slice %arg2[%dma_start3A_101, %dma_start3A_102] : memref<10000x128xf32, #tpu.memory_space<hbm>> -> memref<10000x128xf32, #tpu.memory_space<hbm>>
    tpu.enqueue_indirect_dma source(%dma_start3A_103 : memref<10000x128xf32, #tpu.memory_space<hbm>>) target(%arg8 : memref<128x128xf32, #tpu.memory_space<vmem>>) offsets(%dma_start3A_100 : memref<128xi32, #tpu.memory_space<vmem>>) semaphore(%arg11 : memref<!tpu.dma_semaphore, #tpu.memory_space<semaphore_mem>>)
    %dma_start3A_104 = arith.constant 1 : i32
    %dma_start3A_105 = arith.constant 0 : i32
    %dma_start3A_106 = tpu.memref_slice %arg6[%dma_start3A_104, %dma_start3A_105] : memref<40x128xi32, #tpu.memory_space<vmem>> -> memref<1x128xi32, #tpu.memory_space<vmem>>
    %dma_start3A_107 = tpu.memref_squeeze %dma_start3A_106 : memref<1x128xi32, #tpu.memory_space<vmem>> -> memref<128xi32, #tpu.memory_space<vmem>>
    %dma_start3A_108 = arith.constant 0 : i32
    %dma_start3A_109 = arith.constant 0 : i32
    %dma_start3A_110 = tpu.memref_slice %arg2[%dma_start3A_108, %dma_start3A_109] : memref<10000x128xf32, #tpu.memory_space<hbm>> -> memref<10000x128xf32, #tpu.memory_space<hbm>>
    tpu.enqueue_indirect_dma source(%dma_start3A_110 : memref<10000x128xf32, #tpu.memory_space<hbm>>) target(%arg9 : memref<128x128xf32, #tpu.memory_space<vmem>>) offsets(%dma_start3A_107 : memref<128xi32, #tpu.memory_space<vmem>>) semaphore(%arg12 : memref<!tpu.dma_semaphore, #tpu.memory_space<semaphore_mem>>)
    %scan3A_111 = arith.constant 0 : i32
    %scan3A_112 = arith.constant 19 : i32
    %scan3A_113 = arith.addi %scan3A_111, %scan3A_112 : i32
    %scan3A_114 = arith.constant 1 : i32
    scf.for %scan3A_163 = %scan3A_111 to %scan3A_113 step %scan3A_114  : i32 {
      %mul3A_164 = arith.constant 2 : i32
      %mul3A_165 = arith.muli %scan3A_163, %mul3A_164 : i32
      %add3A_166 = arith.constant 0 : i32
      %add3A_167 = arith.addi %add3A_166, %mul3A_165 : i32
      %dma_wait3A_168 = arith.constant 0 : i32
      %dma_wait3A_169 = tpu.memref_slice %arg6[%add3A_167, %dma_wait3A_168] : memref<40x128xi32, #tpu.memory_space<vmem>> -> memref<1x128xi32, #tpu.memory_space<vmem>>
      %dma_wait3A_170 = tpu.memref_squeeze %dma_wait3A_169 : memref<1x128xi32, #tpu.memory_space<vmem>> -> memref<128xi32, #tpu.memory_space<vmem>>
      %dma_wait3A_171 = arith.constant 0 : i32
      %dma_wait3A_172 = arith.constant 0 : i32
      %dma_wait3A_173 = tpu.memref_slice %arg2[%dma_wait3A_171, %dma_wait3A_172] : memref<10000x128xf32, #tpu.memory_space<hbm>> -> memref<10000x128xf32, #tpu.memory_space<hbm>>
      tpu.wait_indirect_dma semaphore(%arg11 : memref<!tpu.dma_semaphore, #tpu.memory_space<semaphore_mem>>) src(%dma_wait3A_173 : memref<10000x128xf32, #tpu.memory_space<hbm>>) dst(%arg8 : memref<128x128xf32, #tpu.memory_space<vmem>>)
      %dma_start3A_174 = arith.constant 0 : i32
      %dma_start3A_175 = tpu.memref_slice %arg7[%add3A_167, %dma_start3A_174] : memref<40x128xi32, #tpu.memory_space<vmem>> -> memref<1x128xi32, #tpu.memory_space<vmem>>
      %dma_start3A_176 = tpu.memref_squeeze %dma_start3A_175 : memref<1x128xi32, #tpu.memory_space<vmem>> -> memref<128xi32, #tpu.memory_space<vmem>>
      %dma_start3A_177 = arith.constant 0 : i32
      %dma_start3A_178 = arith.constant 0 : i32
      %dma_start3A_179 = tpu.memref_slice %arg10[%dma_start3A_177, %dma_start3A_178] : memref<10240x128xf32, #tpu.memory_space<vmem_shared>> -> memref<10240x128xf32, #tpu.memory_space<vmem_shared>>
      tpu.enqueue_indirect_dma source(%arg8 : memref<128x128xf32, #tpu.memory_space<vmem>>) target(%dma_start3A_179 : memref<10240x128xf32, #tpu.memory_space<vmem_shared>>) offsets(%dma_start3A_176 : memref<128xi32, #tpu.memory_space<vmem>>) semaphore(%arg13 : memref<!tpu.dma_semaphore, #tpu.memory_space<semaphore_mem>>) {add = true}
      %add3A_180 = arith.constant 1 : i32
      %add3A_181 = arith.addi %add3A_167, %add3A_180 : i32
      %dma_wait3A_182 = arith.constant 0 : i32
      %dma_wait3A_183 = tpu.memref_slice %arg6[%add3A_181, %dma_wait3A_182] : memref<40x128xi32, #tpu.memory_space<vmem>> -> memref<1x128xi32, #tpu.memory_space<vmem>>
      %dma_wait3A_184 = tpu.memref_squeeze %dma_wait3A_183 : memref<1x128xi32, #tpu.memory_space<vmem>> -> memref<128xi32, #tpu.memory_space<vmem>>
      %dma_wait3A_185 = arith.constant 0 : i32
      %dma_wait3A_186 = arith.constant 0 : i32
      %dma_wait3A_187 = tpu.memref_slice %arg2[%dma_wait3A_185, %dma_wait3A_186] : memref<10000x128xf32, #tpu.memory_space<hbm>> -> memref<10000x128xf32, #tpu.memory_space<hbm>>
      tpu.wait_indirect_dma semaphore(%arg12 : memref<!tpu.dma_semaphore, #tpu.memory_space<semaphore_mem>>) src(%dma_wait3A_187 : memref<10000x128xf32, #tpu.memory_space<hbm>>) dst(%arg9 : memref<128x128xf32, #tpu.memory_space<vmem>>)
      %add3A_188 = arith.constant 1 : i32
      %add3A_189 = arith.addi %add3A_167, %add3A_188 : i32
      %dma_start3A_190 = arith.constant 0 : i32
      %dma_start3A_191 = tpu.memref_slice %arg7[%add3A_189, %dma_start3A_190] : memref<40x128xi32, #tpu.memory_space<vmem>> -> memref<1x128xi32, #tpu.memory_space<vmem>>
      %dma_start3A_192 = tpu.memref_squeeze %dma_start3A_191 : memref<1x128xi32, #tpu.memory_space<vmem>> -> memref<128xi32, #tpu.memory_space<vmem>>
      %dma_start3A_193 = arith.constant 0 : i32
      %dma_start3A_194 = arith.constant 0 : i32
      %dma_start3A_195 = tpu.memref_slice %arg10[%dma_start3A_193, %dma_start3A_194] : memref<10240x128xf32, #tpu.memory_space<vmem_shared>> -> memref<10240x128xf32, #tpu.memory_space<vmem_shared>>
      tpu.enqueue_indirect_dma source(%arg9 : memref<128x128xf32, #tpu.memory_space<vmem>>) target(%dma_start3A_195 : memref<10240x128xf32, #tpu.memory_space<vmem_shared>>) offsets(%dma_start3A_192 : memref<128xi32, #tpu.memory_space<vmem>>) semaphore(%arg14 : memref<!tpu.dma_semaphore, #tpu.memory_space<semaphore_mem>>) {add = true}
      %dma_wait3A_196 = arith.constant 0 : i32
      %dma_wait3A_197 = tpu.memref_slice %arg7[%add3A_167, %dma_wait3A_196] : memref<40x128xi32, #tpu.memory_space<vmem>> -> memref<1x128xi32, #tpu.memory_space<vmem>>
      %dma_wait3A_198 = tpu.memref_squeeze %dma_wait3A_197 : memref<1x128xi32, #tpu.memory_space<vmem>> -> memref<128xi32, #tpu.memory_space<vmem>>
      %dma_wait3A_199 = arith.constant 0 : i32
      %dma_wait3A_200 = arith.constant 0 : i32
      %dma_wait3A_201 = tpu.memref_slice %arg10[%dma_wait3A_199, %dma_wait3A_200] : memref<10240x128xf32, #tpu.memory_space<vmem_shared>> -> memref<10240x128xf32, #tpu.memory_space<vmem_shared>>
      tpu.wait_indirect_dma semaphore(%arg13 : memref<!tpu.dma_semaphore, #tpu.memory_space<semaphore_mem>>) src(%arg8 : memref<128x128xf32, #tpu.memory_space<vmem>>) dst(%dma_wait3A_201 : memref<10240x128xf32, #tpu.memory_space<vmem_shared>>)
      %add3A_202 = arith.constant 2 : i32
      %add3A_203 = arith.addi %add3A_167, %add3A_202 : i32
      %dma_start3A_204 = arith.constant 0 : i32
      %dma_start3A_205 = tpu.memref_slice %arg6[%add3A_203, %dma_start3A_204] : memref<40x128xi32, #tpu.memory_space<vmem>> -> memref<1x128xi32, #tpu.memory_space<vmem>>
      %dma_start3A_206 = tpu.memref_squeeze %dma_start3A_205 : memref<1x128xi32, #tpu.memory_space<vmem>> -> memref<128xi32, #tpu.memory_space<vmem>>
      %dma_start3A_207 = arith.constant 0 : i32
      %dma_start3A_208 = arith.constant 0 : i32
      %dma_start3A_209 = tpu.memref_slice %arg2[%dma_start3A_207, %dma_start3A_208] : memref<10000x128xf32, #tpu.memory_space<hbm>> -> memref<10000x128xf32, #tpu.memory_space<hbm>>
      tpu.enqueue_indirect_dma source(%dma_start3A_209 : memref<10000x128xf32, #tpu.memory_space<hbm>>) target(%arg8 : memref<128x128xf32, #tpu.memory_space<vmem>>) offsets(%dma_start3A_206 : memref<128xi32, #tpu.memory_space<vmem>>) semaphore(%arg11 : memref<!tpu.dma_semaphore, #tpu.memory_space<semaphore_mem>>)
      %add3A_210 = arith.constant 1 : i32
      %add3A_211 = arith.addi %add3A_167, %add3A_210 : i32
      %dma_wait3A_212 = arith.constant 0 : i32
      %dma_wait3A_213 = tpu.memref_slice %arg7[%add3A_211, %dma_wait3A_212] : memref<40x128xi32, #tpu.memory_space<vmem>> -> memref<1x128xi32, #tpu.memory_space<vmem>>
      %dma_wait3A_214 = tpu.memref_squeeze %dma_wait3A_213 : memref<1x128xi32, #tpu.memory_space<vmem>> -> memref<128xi32, #tpu.memory_space<vmem>>
      %dma_wait3A_215 = arith.constant 0 : i32
      %dma_wait3A_216 = arith.constant 0 : i32
      %dma_wait3A_217 = tpu.memref_slice %arg10[%dma_wait3A_215, %dma_wait3A_216] : memref<10240x128xf32, #tpu.memory_space<vmem_shared>> -> memref<10240x128xf32, #tpu.memory_space<vmem_shared>>
      tpu.wait_indirect_dma semaphore(%arg14 : memref<!tpu.dma_semaphore, #tpu.memory_space<semaphore_mem>>) src(%arg9 : memref<128x128xf32, #tpu.memory_space<vmem>>) dst(%dma_wait3A_217 : memref<10240x128xf32, #tpu.memory_space<vmem_shared>>)
      %add3A_218 = arith.constant 3 : i32
      %add3A_219 = arith.addi %add3A_167, %add3A_218 : i32
      %dma_start3A_220 = arith.constant 0 : i32
      %dma_start3A_221 = tpu.memref_slice %arg6[%add3A_219, %dma_start3A_220] : memref<40x128xi32, #tpu.memory_space<vmem>> -> memref<1x128xi32, #tpu.memory_space<vmem>>
      %dma_start3A_222 = tpu.memref_squeeze %dma_start3A_221 : memref<1x128xi32, #tpu.memory_space<vmem>> -> memref<128xi32, #tpu.memory_space<vmem>>
      %dma_start3A_223 = arith.constant 0 : i32
      %dma_start3A_224 = arith.constant 0 : i32
      %dma_start3A_225 = tpu.memref_slice %arg2[%dma_start3A_223, %dma_start3A_224] : memref<10000x128xf32, #tpu.memory_space<hbm>> -> memref<10000x128xf32, #tpu.memory_space<hbm>>
      tpu.enqueue_indirect_dma source(%dma_start3A_225 : memref<10000x128xf32, #tpu.memory_space<hbm>>) target(%arg9 : memref<128x128xf32, #tpu.memory_space<vmem>>) offsets(%dma_start3A_222 : memref<128xi32, #tpu.memory_space<vmem>>) semaphore(%arg12 : memref<!tpu.dma_semaphore, #tpu.memory_space<semaphore_mem>>)
    }
    %scan3A_115 = arith.constant 19 : i32
    %dma_wait3A_116 = arith.constant 38 : i32
    %dma_wait3A_117 = arith.constant 0 : i32
    %dma_wait3A_118 = tpu.memref_slice %arg6[%dma_wait3A_116, %dma_wait3A_117] : memref<40x128xi32, #tpu.memory_space<vmem>> -> memref<1x128xi32, #tpu.memory_space<vmem>>
    %dma_wait3A_119 = tpu.memref_squeeze %dma_wait3A_118 : memref<1x128xi32, #tpu.memory_space<vmem>> -> memref<128xi32, #tpu.memory_space<vmem>>
    %dma_wait3A_120 = arith.constant 0 : i32
    %dma_wait3A_121 = arith.constant 0 : i32
    %dma_wait3A_122 = tpu.memref_slice %arg2[%dma_wait3A_120, %dma_wait3A_121] : memref<10000x128xf32, #tpu.memory_space<hbm>> -> memref<10000x128xf32, #tpu.memory_space<hbm>>
    tpu.wait_indirect_dma semaphore(%arg11 : memref<!tpu.dma_semaphore, #tpu.memory_space<semaphore_mem>>) src(%dma_wait3A_122 : memref<10000x128xf32, #tpu.memory_space<hbm>>) dst(%arg8 : memref<128x128xf32, #tpu.memory_space<vmem>>)
    %dma_start3A_123 = arith.constant 38 : i32
    %dma_start3A_124 = arith.constant 0 : i32
    %dma_start3A_125 = tpu.memref_slice %arg7[%dma_start3A_123, %dma_start3A_124] : memref<40x128xi32, #tpu.memory_space<vmem>> -> memref<1x128xi32, #tpu.memory_space<vmem>>
    %dma_start3A_126 = tpu.memref_squeeze %dma_start3A_125 : memref<1x128xi32, #tpu.memory_space<vmem>> -> memref<128xi32, #tpu.memory_space<vmem>>
    %dma_start3A_127 = arith.constant 0 : i32
    %dma_start3A_128 = arith.constant 0 : i32
    %dma_start3A_129 = tpu.memref_slice %arg10[%dma_start3A_127, %dma_start3A_128] : memref<10240x128xf32, #tpu.memory_space<vmem_shared>> -> memref<10240x128xf32, #tpu.memory_space<vmem_shared>>
    tpu.enqueue_indirect_dma source(%arg8 : memref<128x128xf32, #tpu.memory_space<vmem>>) target(%dma_start3A_129 : memref<10240x128xf32, #tpu.memory_space<vmem_shared>>) offsets(%dma_start3A_126 : memref<128xi32, #tpu.memory_space<vmem>>) semaphore(%arg13 : memref<!tpu.dma_semaphore, #tpu.memory_space<semaphore_mem>>) {add = true}
    %dma_wait3A_130 = arith.constant 39 : i32
    %dma_wait3A_131 = arith.constant 0 : i32
    %dma_wait3A_132 = tpu.memref_slice %arg6[%dma_wait3A_130, %dma_wait3A_131] : memref<40x128xi32, #tpu.memory_space<vmem>> -> memref<1x128xi32, #tpu.memory_space<vmem>>
    %dma_wait3A_133 = tpu.memref_squeeze %dma_wait3A_132 : memref<1x128xi32, #tpu.memory_space<vmem>> -> memref<128xi32, #tpu.memory_space<vmem>>
    %dma_wait3A_134 = arith.constant 0 : i32
    %dma_wait3A_135 = arith.constant 0 : i32
    %dma_wait3A_136 = tpu.memref_slice %arg2[%dma_wait3A_134, %dma_wait3A_135] : memref<10000x128xf32, #tpu.memory_space<hbm>> -> memref<10000x128xf32, #tpu.memory_space<hbm>>
    tpu.wait_indirect_dma semaphore(%arg12 : memref<!tpu.dma_semaphore, #tpu.memory_space<semaphore_mem>>) src(%dma_wait3A_136 : memref<10000x128xf32, #tpu.memory_space<hbm>>) dst(%arg9 : memref<128x128xf32, #tpu.memory_space<vmem>>)
    %dma_start3A_137 = arith.constant 39 : i32
    %dma_start3A_138 = arith.constant 0 : i32
    %dma_start3A_139 = tpu.memref_slice %arg7[%dma_start3A_137, %dma_start3A_138] : memref<40x128xi32, #tpu.memory_space<vmem>> -> memref<1x128xi32, #tpu.memory_space<vmem>>
    %dma_start3A_140 = tpu.memref_squeeze %dma_start3A_139 : memref<1x128xi32, #tpu.memory_space<vmem>> -> memref<128xi32, #tpu.memory_space<vmem>>
    %dma_start3A_141 = arith.constant 0 : i32
    %dma_start3A_142 = arith.constant 0 : i32
    %dma_start3A_143 = tpu.memref_slice %arg10[%dma_start3A_141, %dma_start3A_142] : memref<10240x128xf32, #tpu.memory_space<vmem_shared>> -> memref<10240x128xf32, #tpu.memory_space<vmem_shared>>
    tpu.enqueue_indirect_dma source(%arg9 : memref<128x128xf32, #tpu.memory_space<vmem>>) target(%dma_start3A_143 : memref<10240x128xf32, #tpu.memory_space<vmem_shared>>) offsets(%dma_start3A_140 : memref<128xi32, #tpu.memory_space<vmem>>) semaphore(%arg14 : memref<!tpu.dma_semaphore, #tpu.memory_space<semaphore_mem>>) {add = true}
    %dma_wait3A_144 = arith.constant 38 : i32
    %dma_wait3A_145 = arith.constant 0 : i32
    %dma_wait3A_146 = tpu.memref_slice %arg7[%dma_wait3A_144, %dma_wait3A_145] : memref<40x128xi32, #tpu.memory_space<vmem>> -> memref<1x128xi32, #tpu.memory_space<vmem>>
    %dma_wait3A_147 = tpu.memref_squeeze %dma_wait3A_146 : memref<1x128xi32, #tpu.memory_space<vmem>> -> memref<128xi32, #tpu.memory_space<vmem>>
    %dma_wait3A_148 = arith.constant 0 : i32
    %dma_wait3A_149 = arith.constant 0 : i32
    %dma_wait3A_150 = tpu.memref_slice %arg10[%dma_wait3A_148, %dma_wait3A_149] : memref<10240x128xf32, #tpu.memory_space<vmem_shared>> -> memref<10240x128xf32, #tpu.memory_space<vmem_shared>>
    tpu.wait_indirect_dma semaphore(%arg13 : memref<!tpu.dma_semaphore, #tpu.memory_space<semaphore_mem>>) src(%arg8 : memref<128x128xf32, #tpu.memory_space<vmem>>) dst(%dma_wait3A_150 : memref<10240x128xf32, #tpu.memory_space<vmem_shared>>)
    %dma_wait3A_151 = arith.constant 39 : i32
    %dma_wait3A_152 = arith.constant 0 : i32
    %dma_wait3A_153 = tpu.memref_slice %arg7[%dma_wait3A_151, %dma_wait3A_152] : memref<40x128xi32, #tpu.memory_space<vmem>> -> memref<1x128xi32, #tpu.memory_space<vmem>>
    %dma_wait3A_154 = tpu.memref_squeeze %dma_wait3A_153 : memref<1x128xi32, #tpu.memory_space<vmem>> -> memref<128xi32, #tpu.memory_space<vmem>>
    %dma_wait3A_155 = arith.constant 0 : i32
    %dma_wait3A_156 = arith.constant 0 : i32
    %dma_wait3A_157 = tpu.memref_slice %arg10[%dma_wait3A_155, %dma_wait3A_156] : memref<10240x128xf32, #tpu.memory_space<vmem_shared>> -> memref<10240x128xf32, #tpu.memory_space<vmem_shared>>
    tpu.wait_indirect_dma semaphore(%arg14 : memref<!tpu.dma_semaphore, #tpu.memory_space<semaphore_mem>>) src(%arg9 : memref<128x128xf32, #tpu.memory_space<vmem>>) dst(%dma_wait3A_157 : memref<10240x128xf32, #tpu.memory_space<vmem_shared>>)
    %barrier3A_158 = arith.constant 0 : index
    tpu.barrier barrier_id(%barrier3A_158)
    %mul3A_159 = arith.constant 640 : i32
    %mul3A_160 = arith.muli %arg1, %mul3A_159 : i32
    %mul3A_161 = arith.constant 640 : i32
    %mul3A_162 = arith.muli %arg1, %mul3A_161 : i32
    "tpu.region"() ({
      %run_scoped3A = tpu.sem_alloc : memref<!tpu.dma_semaphore, #tpu.memory_space<semaphore_mem>>
      %dma_start3A_163 = arith.constant 0 : i32
      %dma_start3A_164 = tpu.memref_slice %arg5[%arg0, %mul3A_162, %dma_start3A_163] : memref<2x10240x128xf32, #tpu.memory_space<hbm>> -> memref<1x640x128xf32, #tpu.memory_space<hbm>>
      %dma_start3A_165 = tpu.memref_squeeze %dma_start3A_164 : memref<1x640x128xf32, #tpu.memory_space<hbm>> -> memref<640x128xf32, #tpu.memory_space<hbm>>
      %dma_start3A_166 = arith.constant 0 : i32
      %dma_start3A_167 = tpu.memref_slice %arg10[%mul3A_160, %dma_start3A_166] : memref<10240x128xf32, #tpu.memory_space<vmem_shared>> -> memref<640x128xf32, #tpu.memory_space<vmem_shared>>
      tpu.enqueue_dma source(%dma_start3A_167 : memref<640x128xf32, #tpu.memory_space<vmem_shared>>) target(%dma_start3A_165 : memref<640x128xf32, #tpu.memory_space<hbm>>) target_semaphore(%run_scoped3A : memref<!tpu.dma_semaphore, #tpu.memory_space<semaphore_mem>>)
      %dma_wait3A_168 = arith.constant 0 : i32
      %dma_wait3A_169 = tpu.memref_slice %arg5[%arg0, %mul3A_162, %dma_wait3A_168] : memref<2x10240x128xf32, #tpu.memory_space<hbm>> -> memref<1x640x128xf32, #tpu.memory_space<hbm>>
      %dma_wait3A_170 = tpu.memref_squeeze %dma_wait3A_169 : memref<1x640x128xf32, #tpu.memory_space<hbm>> -> memref<640x128xf32, #tpu.memory_space<hbm>>
      %dma_wait3A_171 = arith.constant 0 : i32
      %dma_wait3A_172 = tpu.memref_slice %arg10[%mul3A_160, %dma_wait3A_171] : memref<10240x128xf32, #tpu.memory_space<vmem_shared>> -> memref<640x128xf32, #tpu.memory_space<vmem_shared>>
      tpu.wait_dma2 semaphore(%run_scoped3A : memref<!tpu.dma_semaphore, #tpu.memory_space<semaphore_mem>>) src(%dma_wait3A_172 : memref<640x128xf32, #tpu.memory_space<vmem_shared>>) dst(%dma_wait3A_170 : memref<640x128xf32, #tpu.memory_space<hbm>>)
      tpu.yield
    }) : () -> ()
    return
  }
}

module attributes {stable_mosaic.version = 14 : i64} {
  func.func @_tc_linear_body(%arg0: i32, %arg1: memref<2000x128xf32, #tpu.memory_space<vmem>>, %arg2: memref<2000x2xf32, #tpu.memory_space<vmem>>, %arg3: memref<128x128xf32, #tpu.memory_space<vmem>>, %arg4: memref<1x128xf32, #tpu.memory_space<vmem>>, %arg5: memref<2000x128xf32, #tpu.memory_space<vmem>>) attributes {dimension_semantics = [#tpu.dimension_semantics<arbitrary>], iteration_bounds = array<i64: 5>, scalar_prefetch = 0 : i64, scratch_operands = 0 : i64, tpu.core_type = #tpu.core_type<tc>, window_params = [{transform_indices = @transform_0, window_bounds = array<i64: 2000, 128>}, {transform_indices = @transform_1, window_bounds = array<i64: 2000, 2>}, {pipeline_mode = #tpu.pipeline_mode<synchronous>, transform_indices = @transform_2, window_bounds = array<i64: 128, 128>}, {pipeline_mode = #tpu.pipeline_mode<synchronous>, transform_indices = @transform_3, window_bounds = array<i64: 1, 128>}, {transform_indices = @transform_4, window_bounds = array<i64: 2000, 128>}]} {
    %get3A = arith.constant 0 : index
    %get3A_0 = arith.constant 0 : index
    %get3A_1 = vector.load %arg1[%get3A, %get3A_0] : memref<2000x128xf32, #tpu.memory_space<vmem>>, vector<2000x128xf32>
    %get3A_2 = arith.constant 0 : index
    %get3A_3 = arith.constant 0 : index
    %get3A_4 = vector.load %arg3[%get3A_2, %get3A_3] : memref<128x128xf32, #tpu.memory_space<vmem>>, vector<128x128xf32>
    %dot_general3A = arith.constant dense<0.000000e+00> : vector<2000x128xf32>
    %dot_general3A_5 = tpu.matmul %get3A_1, %get3A_4, %dot_general3A {dimension_numbers = #tpu.dot_dimension_numbers<[1], [1], [0], [0], [0, 0, 1, 0], [], []>, transpose_lhs_hint = false} : vector<2000x128xf32>, vector<128x128xf32>, vector<2000x128xf32> -> vector<2000x128xf32>
    %get3A_6 = arith.constant 0 : index
    %get3A_7 = arith.constant 0 : index
    %get3A_8 = vector.load %arg4[%get3A_6, %get3A_7] : memref<1x128xf32, #tpu.memory_space<vmem>>, vector<1x128xf32>
    %add3A = vector.broadcast %get3A_8 : vector<1x128xf32> to vector<2000x128xf32>
    %add3A_9 = arith.addf %dot_general3A_5, %add3A : vector<2000x128xf32>
    %get3A_10 = arith.constant 0 : index
    %get3A_11 = arith.constant 0 : index
    %get3A_12 = vector.load %arg2[%get3A_10, %get3A_11] : memref<2000x2xf32, #tpu.memory_space<vmem>>, vector<2000x2xf32>
    %slice3A = vector.extract_strided_slice %get3A_12 {offsets = [0, 0], sizes = [2000, 1], strides = [1, 1]} : vector<2000x2xf32> to vector<2000x1xf32>
    %squeeze3A = vector.shape_cast %slice3A : vector<2000x1xf32> to vector<2000xf32>
    %slice3A_13 = vector.extract_strided_slice %get3A_12 {offsets = [0, 1], sizes = [2000, 1], strides = [1, 1]} : vector<2000x2xf32> to vector<2000x1xf32>
    %squeeze3A_14 = vector.shape_cast %slice3A_13 : vector<2000x1xf32> to vector<2000xf32>
    %add3A_15 = arith.addf %squeeze3A, %squeeze3A_14 : vector<2000xf32>
    %add3A_16 = arith.constant 1.000000e+00 : f32
    %add3A_17 = vector.broadcast %add3A_16 : f32 to vector<2000xf32>
    %add3A_18 = arith.addf %add3A_15, %add3A_17 : vector<2000xf32>
    %rsqrt3A = math.rsqrt %add3A_18 : vector<2000xf32>
    %broadcast_in_dim3A = vector.shape_cast %rsqrt3A : vector<2000xf32> to vector<2000x1xf32>
    %mul3A = vector.broadcast %broadcast_in_dim3A : vector<2000x1xf32> to vector<2000x128xf32>
    %mul3A_19 = arith.mulf %add3A_9, %mul3A : vector<2000x128xf32>
    %swap3A = arith.constant 0 : index
    %swap3A_20 = arith.constant 0 : index
    %swap3A_21 = vector.load %arg5[%swap3A, %swap3A_20] : memref<2000x128xf32, #tpu.memory_space<vmem>>, vector<2000x128xf32>
    tpu.vector_store %arg5[%swap3A, %swap3A_20], %mul3A_19 {strides = array<i32>} : memref<2000x128xf32, #tpu.memory_space<vmem>>, vector<2000x128xf32>,
    return
  }
  func.func @transform_0(%arg0: i32) -> (i32, i32) {
    %c0_i32 = arith.constant 0 : i32
    %c0_i32_0 = arith.constant 0 : i32
    return %arg0, %c0_i32 : i32, i32
  }
  func.func @transform_1(%arg0: i32) -> (i32, i32) {
    %c0_i32 = arith.constant 0 : i32
    %c0_i32_0 = arith.constant 0 : i32
    return %arg0, %c0_i32 : i32, i32
  }
  func.func @transform_2(%arg0: i32) -> (i32, i32) {
    %c0_i32 = arith.constant 0 : i32
    %c0_i32_0 = arith.constant 0 : i32
    %c0_i32_1 = arith.constant 0 : i32
    return %c0_i32, %c0_i32_0 : i32, i32
  }
  func.func @transform_3(%arg0: i32) -> (i32, i32) {
    %c0_i32 = arith.constant 0 : i32
    %c0_i32_0 = arith.constant 0 : i32
    %c0_i32_1 = arith.constant 0 : i32
    return %c0_i32, %c0_i32_0 : i32, i32
  }
  func.func @transform_4(%arg0: i32) -> (i32, i32) {
    %c0_i32 = arith.constant 0 : i32
    %c0_i32_0 = arith.constant 0 : i32
    return %arg0, %c0_i32 : i32, i32
  }
}

module attributes {stable_mosaic.version = 14 : i64} {
  func.func @_tc_final_body(%arg0: i32, %arg1: memref<2x2000x128xf32, #tpu.memory_space<vmem>>, %arg2: memref<2000x2xf32, #tpu.memory_space<vmem>>, %arg3: memref<2000x128xf32, #tpu.memory_space<vmem>>, %arg4: memref<2000x128xf32, #tpu.memory_space<vmem>>) attributes {dimension_semantics = [#tpu.dimension_semantics<arbitrary>], iteration_bounds = array<i64: 5>, scalar_prefetch = 0 : i64, scratch_operands = 0 : i64, tpu.core_type = #tpu.core_type<tc>, window_params = [{transform_indices = @transform_0, window_bounds = array<i64: 2, 2000, 128>}, {transform_indices = @transform_1, window_bounds = array<i64: 2000, 2>}, {transform_indices = @transform_2, window_bounds = array<i64: 2000, 128>}, {transform_indices = @transform_3, window_bounds = array<i64: 2000, 128>}]} {
    %get3A = arith.constant 0 : index
    %get3A_0 = arith.constant 0 : index
    %get3A_1 = arith.constant 0 : index
    %get3A_2 = vector.load %arg1[%get3A, %get3A_0, %get3A_1] : memref<2x2000x128xf32, #tpu.memory_space<vmem>>, vector<1x2000x128xf32>
    %get3A_3 = vector.shape_cast %get3A_2 : vector<1x2000x128xf32> to vector<2000x128xf32>
    %get3A_4 = arith.constant 1 : index
    %get3A_5 = arith.constant 0 : index
    %get3A_6 = arith.constant 0 : index
    %get3A_7 = vector.load %arg1[%get3A_4, %get3A_5, %get3A_6] : memref<2x2000x128xf32, #tpu.memory_space<vmem>>, vector<1x2000x128xf32>
    %get3A_8 = vector.shape_cast %get3A_7 : vector<1x2000x128xf32> to vector<2000x128xf32>
    %add3A = arith.addf %get3A_3, %get3A_8 : vector<2000x128xf32>
    %get3A_9 = arith.constant 0 : index
    %get3A_10 = arith.constant 0 : index
    %get3A_11 = vector.load %arg2[%get3A_9, %get3A_10] : memref<2000x2xf32, #tpu.memory_space<vmem>>, vector<2000x2xf32>
    %slice3A = vector.extract_strided_slice %get3A_11 {offsets = [0, 0], sizes = [2000, 1], strides = [1, 1]} : vector<2000x2xf32> to vector<2000x1xf32>
    %squeeze3A = vector.shape_cast %slice3A : vector<2000x1xf32> to vector<2000xf32>
    %slice3A_12 = vector.extract_strided_slice %get3A_11 {offsets = [0, 1], sizes = [2000, 1], strides = [1, 1]} : vector<2000x2xf32> to vector<2000x1xf32>
    %squeeze3A_13 = vector.shape_cast %slice3A_12 : vector<2000x1xf32> to vector<2000xf32>
    %add3A_14 = arith.addf %squeeze3A, %squeeze3A_13 : vector<2000xf32>
    %add3A_15 = arith.constant 1.000000e+00 : f32
    %add3A_16 = vector.broadcast %add3A_15 : f32 to vector<2000xf32>
    %add3A_17 = arith.addf %add3A_14, %add3A_16 : vector<2000xf32>
    %rsqrt3A = math.rsqrt %add3A_17 : vector<2000xf32>
    %get3A_18 = arith.constant 0 : index
    %get3A_19 = arith.constant 0 : index
    %get3A_20 = vector.load %arg3[%get3A_18, %get3A_19] : memref<2000x128xf32, #tpu.memory_space<vmem>>, vector<2000x128xf32>
    %add3A_21 = arith.addf %add3A, %get3A_20 : vector<2000x128xf32>
    %broadcast_in_dim3A = vector.shape_cast %rsqrt3A : vector<2000xf32> to vector<2000x1xf32>
    %mul3A = vector.broadcast %broadcast_in_dim3A : vector<2000x1xf32> to vector<2000x128xf32>
    %mul3A_22 = arith.mulf %add3A_21, %mul3A : vector<2000x128xf32>
    %max3A = arith.constant 0.000000e+00 : f32
    %max3A_23 = vector.broadcast %max3A : f32 to vector<2000x128xf32>
    %max3A_24 = arith.maximumf %mul3A_22, %max3A_23 : vector<2000x128xf32>
    %swap3A = arith.constant 0 : index
    %swap3A_25 = arith.constant 0 : index
    %swap3A_26 = vector.load %arg4[%swap3A, %swap3A_25] : memref<2000x128xf32, #tpu.memory_space<vmem>>, vector<2000x128xf32>
    tpu.vector_store %arg4[%swap3A, %swap3A_25], %max3A_24 {strides = array<i32>} : memref<2000x128xf32, #tpu.memory_space<vmem>>, vector<2000x128xf32>,
    return
  }
  func.func @transform_0(%arg0: i32) -> (i32, i32, i32) {
    %c0_i32 = arith.constant 0 : i32
    %c0_i32_0 = arith.constant 0 : i32
    %c0_i32_1 = arith.constant 0 : i32
    return %c0_i32, %arg0, %c0_i32_0 : i32, i32, i32
  }
  func.func @transform_1(%arg0: i32) -> (i32, i32) {
    %c0_i32 = arith.constant 0 : i32
    %c0_i32_0 = arith.constant 0 : i32
    return %arg0, %c0_i32 : i32, i32
  }
  func.func @transform_2(%arg0: i32) -> (i32, i32) {
    %c0_i32 = arith.constant 0 : i32
    %c0_i32_0 = arith.constant 0 : i32
    return %arg0, %c0_i32 : i32, i32
  }
  func.func @transform_3(%arg0: i32) -> (i32, i32) {
    %c0_i32 = arith.constant 0 : i32
    %c0_i32_0 = arith.constant 0 : i32
    return %arg0, %c0_i32 : i32, i32
  }
}

</mosaic_0001>

<sc_bundles>
// kernel: kernel.6.cloned.1.call-start
scs
__scs_entry_jumppad:
0x0: {  	(pc) =	sbr.rel $0x88, $3  }
0x1: {  	(tag) =	ssettag $0x0;
	lr =	simm.s32 $0x1  }
0x2: {  	[smem:$0x3F9D] =	sst lr;
	_ =	strace $0xD0000000  }
0x3: {  	_ = 	snop  }
0x4: {  	_ = 	snop  }
0x5: {  	_ = 	snop  }
0x6: {  	_ = 	snop  }
0x7: {  	_ = 	snop  }
__scs_overlays_trampoline_lowered:
0x8: {  	[smem:$0x3FAC] =	sst s0  }
0x9: {  	[smem:$0x3FAD] =	sst s1  }
0xa: {  	[smem:$0x3FAE] =	sst s2  }
0xb: {  	[smem:$0x3FAF] =	sst s3  }
0xc: {  	[smem:$0x3FB0] =	sst s4  }
0xd: {  	[smem:$0x3FB1] =	sst s5  }
0xe: {  	[smem:$0x3FB2] =	sst s6  }
0xf: {  	[smem:$0x3FB3] =	sst s7  }
0x10: {  	[smem:$0x3FB4] =	sst s8  }
0x11: {  	[smem:$0x3FB5] =	sst s9;
	s0 =	simm.s32 @!p0 $0x0  }
0x12: {  	s1 =	sld [smem:$0x3F9B];
	s0 =	simm.s32 @p0 $0x1  }
0x13: {  	[smem:$0x3FB6] =	sst s0;
	s0 =	simm.s32 @!p1 $0x0  }
0x14: {  	s2 =	sld [smem:$0x3F9A];
	s0 =	simm.s32 @p1 $0x1  }
0x15: {  	[smem:$0x3FB7] =	sst s0;
	s0 =	simm.s32 @!p2 $0x0  }
0x16: {  	s3 =	sld [smem:$0x3FDB];
	s0 =	simm.s32 @p2 $0x1  }
0x17: {  	s4 =	simm.s32 $0x1BF5;
	[smem:$0x3FB9] =	sst s0  }
0x18: {  	s0 =	sld [smem:$0x3F9C];
	_ =	swait.ge [sflag:s4], $0x0  }
0x19: {  	s7 =	sld [smem:$0x3F9D]  }
0x1a: {  	s8 =	sadd.s32 $0xFFFFE003, lr  }
0x1b: {  	s9 =	sadd.s32 $0xFFFFFEF7, lr;
	s5 =	simm.s32 $0xFFFFFFFF;
	p2 =	slt.u32 s8, $0xFFFFF086  }
0x1c: {  	p1 =	slt.u32 s9, $0xF7A;
	s5 =	simm.s32 @!p2 $0x0  }
0x1d: {  	s5 =	simm.s32 @p1 $0x1;
	p0 =	seq.s32 s7, s2  }
0x1e: {  	s7 =	smul.u32 @!p0 $0xF7A, s2;
	p2 =	seq.s32 @!p0 s5, $0x0  }
0x1f: {  	s9 =	smul.u32 $0xF7A, s1;
	s8 =	simm.s32 @!p0 $0x1BF5;
	p2 =	por !p2, p0  }
0x20: {  	[sflag:s8] =	ssyncset.s32 @!p0 $0xFFFFF086;
	s6 =	sadd.s32 @!p0 s3, s7;
	s7 =	simm.s32 @!p0 $0x108  }
0x21: {  	s3 =	sadd.s32 s3, s9;
	s6 =	sadd.s32 @!p0 $0x88, s6;
	s7 =	simm.s32 @p2 $0x1082  }
0x22: {  	[simem:s7], [sflag:s8] =	dma.local @!p0 [hbm:s6], $0xF7A  }
0x23: {  	s9 =	sor.u32 $0xD0000000, s2;
	s6 =	simm.s32 $0x108;
	_ =	swait.ge @!p0 [sflag:s8], $0x0  }
0x24: {  	s3 =	sadd.s32 $0x88, s3;
	s6 =	simm.s32 @!p1 $0x1082;
	[sflag:s4] =	ssyncset.s32 $0xFFFFF086  }
0x25: {  	[simem:s6], [sflag:s4] =	dma.local [hbm:s3], $0xF7A  }
0x26: {  	[smem:$0x3F9D] =	sst s1;
	(tag) =	ssettag s2;
	_ =	strace s9  }
0x27: {  	s1 =	sld [smem:$0x3FAD]  }
0x28: {  	s2 =	sld [smem:$0x3FAE]  }
0x29: {  	s4 =	sld [smem:$0x3FB0]  }
0x2a: {  	p0 =	seq.s32 s5, $0x0;
	s5 =	sld [smem:$0x3FB1]  }
0x2b: {  	s6 =	sld [smem:$0x3FB2]  }
0x2c: {  	s7 =	sld [smem:$0x3FB3]  }
0x2d: {  	s3 =	simm.s32 $0x108;
	s8 =	sld [smem:$0x3FB4]  }
0x2e: {  	s3 =	simm.s32 @!p0 $0x1082;
	s9 =	sld [smem:$0x3FB5]  }
0x2f: {  	lr =	sadd.s32 s0, s3;
	s0 =	sld [smem:$0x3FAC]  }
0x30: {  	s3 =	sld [smem:$0x3FAF]  }
0x31: {  	[smem:$0x3FB8] =	sst s10  }
0x32: {  	s10 =	sld [smem:$0x3FB6];
	_ =	sdelay $0x3  }
0x33: {  	p0 =	seq.s32 s10, $0x1;
	s10 =	sld [smem:$0x3FB8];
	_ =	sdelay $0x3  }
0x34: {  	[smem:$0x3FB8] =	sst s10  }
0x35: {  	s10 =	sld [smem:$0x3FB7];
	_ =	sdelay $0x3  }
0x36: {  	p1 =	seq.s32 s10, $0x1;
	s10 =	sld [smem:$0x3FB8];
	_ =	sdelay $0x3  }
0x37: {  	[smem:$0x3FB8] =	sst s10  }
0x38: {  	s10 =	sld [smem:$0x3FB9]  }
0x39: {  	_ = 	snop;
	(pc) =	sbr.ind lr, $3  }
0x3a: {  	_ = 	snop  }
0x3b: {  	_ = 	snop  }
0x3c: {  	p2 =	seq.s32 s10, $0x1;
	s10 =	sld [smem:$0x3FB8]  }
0x3d: {  	_ =	shalt  }
0x3e: {  	_ =	shalt  }
0x3f: {  	_ =	shalt  }
0x40: {  	_ =	shalt  }
0x41: {  	_ =	shalt  }
0x42: {  	_ =	shalt  }
0x43: {  	_ =	shalt  }
0x44: {  	_ =	shalt  }
0x45: {  	_ =	shalt  }
0x46: {  	_ =	shalt  }
0x47: {  	_ =	shalt  }
0x48: {  	_ =	shalt  }
0x49: {  	_ =	shalt  }
0x4a: {  	_ =	shalt  }
0x4b: {  	_ =	shalt  }
0x4c: {  	_ =	shalt  }
0x4d: {  	_ =	shalt  }
0x4e: {  	_ =	shalt  }
0x4f: {  	_ =	shalt  }
0x50: {  	_ =	shalt  }
0x51: {  	_ =	shalt  }
0x52: {  	_ =	shalt  }
0x53: {  	_ =	shalt  }
0x54: {  	_ =	shalt  }
0x55: {  	_ =	shalt  }
0x56: {  	_ =	shalt  }
0x57: {  	_ =	shalt  }
0x58: {  	_ =	shalt  }
0x59: {  	_ =	shalt  }
0x5a: {  	_ =	shalt  }
0x5b: {  	_ =	shalt  }
0x5c: {  	_ =	shalt  }
0x5d: {  	_ =	shalt  }
0x5e: {  	_ =	shalt  }
0x5f: {  	_ =	shalt  }
0x60: {  	_ =	shalt  }
0x61: {  	_ =	shalt  }
0x62: {  	_ =	shalt  }
0x63: {  	_ =	shalt  }
0x64: {  	_ =	shalt  }
0x65: {  	_ =	shalt  }
0x66: {  	_ =	shalt  }
0x67: {  	_ =	shalt  }
0x68: {  	_ =	shalt  }
0x69: {  	_ =	shalt  }
0x6a: {  	_ =	shalt  }
0x6b: {  	_ =	shalt  }
0x6c: {  	_ =	shalt  }
0x6d: {  	_ =	shalt  }
0x6e: {  	_ =	shalt  }
0x6f: {  	_ =	shalt  }
0x70: {  	_ =	shalt  }
0x71: {  	_ =	shalt  }
0x72: {  	_ =	shalt  }
0x73: {  	_ =	shalt  }
0x74: {  	_ =	shalt  }
0x75: {  	_ =	shalt  }
0x76: {  	_ =	shalt  }
0x77: {  	_ =	shalt  }
0x78: {  	_ =	shalt  }
0x79: {  	_ =	shalt  }
0x7a: {  	_ =	shalt  }
0x7b: {  	_ =	shalt  }
0x7c: {  	_ =	shalt  }
0x7d: {  	_ =	shalt  }
0x7e: {  	_ =	shalt  }
0x7f: {  	_ =	shalt  }
0x80: {  	_ =	shalt  }
0x81: {  	_ =	shalt  }
0x82: {  	_ =	shalt  }
0x83: {  	_ =	shalt  }
0x84: {  	_ =	shalt  }
0x85: {  	_ =	shalt  }
0x86: {  	_ =	shalt  }
0x87: {  	_ =	shalt  }
.Lfunc_end0:
.L_simem_size_0:
called_computation_lowered:
.L_overlay_start_0:
0x88: {  	s2 =	sld [smem:$0x3FD9]  }
0x89: {  	s3 =	sld [smem:$0x3FFE];
	_ =	sdelay $0x1  }
0x8a: {  	s1 =	srdreg.scid  }
0x8b: {  	s0 =	sand.u32 $0x1, s1  }
0x8c: {  	s17 =	sshll.u32 s0, $0xA;
	s2 =	sadd.s32 s3, s2  }
0x8d: {  	s2 =	sadd.s32 s2, s17  }
0x8e: {  	[smem:$0x3FC4] =	sst s2  }
0x8f: {  	_ = 	snop  }
0x90: {  	s2 =	sld [smem:$0x3FD0];
	(tm) =	ssettm $0x1  }
0x91: {  	s18 =	sld [smem:$0x3FFB];
	_ =	sdelay $0x3  }
0x92: {  	_ =	strace s18  }
0x93: {  	s3 =	sld [smem:$0x3FFC];
	_ =	sdelay $0x3  }
0x94: {  	_ =	strace s3  }
0x95: {  	s3 =	sld [smem:$0x3FFD];
	_ =	sdelay $0x3  }
0x96: {  	_ =	strace s3  }
0x97: {  	_ =	strace $0x8FFFFFFF  }
0x98: {  	s19 =	sld [smem:$0x3FDB];
	_ =	sdelay $0x1  }
0x99: {  	s4 =	simm.s32 $_scs_section_size  }
0x9a: {  	s5 =	simm.s32 $_size__tile_overlayer_lowered;
	s6 =	simm.s32 $_tile_overlayer_lowered  }
0x9b: {  	s22 =	simm.s32 $0x1BFF;
	s21 =	sshll.u32 s6, $0x1;
	s3 =	sadd.s32 s4, s19  }
0x9c: {  	s7 =	simm.s32 $0x0;
	s20 =	sshll.u32 s5, $0x1;
	s5 =	sadd.s32 s21, s3  }
0x9d: {  	[timem:s7], [sflag:s22] =	dma.local [hbm:s5], s20  }
0x9e: {  	_ =	swait.ge [sflag:s22], s20  }
0x9f: {  	s4 =	ssub.s32 $0x0, s20;
	[sflag:s22] =	ssyncset.done $0x0  }
0xa0: {  	[sflag:s22] =	ssyncadd.s32 s4;
	_ =	sdelay $0x1  }
0xa1: {  	s23 =	simm.s32 $0x1B8B  }
0xa2: {  	_ =	swait.ge [sflag:s23], $0x1  }
0xa3: {  	[sflag:s23] =	ssyncset.done $0x0  }
0xa4: {  	s25 =	simm.s32 $0x1B8E;
	s24 =	sld [smem:$0x3FFE];
	[sflag:s23] =	ssyncadd.s32 $0xFFFFFFFF  }
0xa5: {  	s26 =	simm.s32 $execute0_lowered;
	[smem:$0x3FD2] =	sst s25  }
0xa6: {  	s5 =	sshll.u32 s26, $0x1;
	_ =	strace $0x80000046;
	[dreg:$0x1] =	wrdreg $0xFFFFFFFF  }
0xa7: {  	s28 =	simm.s32 $_size_execute0_lowered;
	s3 =	sadd.s32 s3, s5;
	[dreg:$0x0] =	wrdreg $0x0  }
0xa8: {  	s5 =	sshll.u32 s28, $0x1;
	[dreg:$0x2] =	wrdreg s3  }
0xa9: {  	[dreg:$0x3] =	wrdreg s5  }
0xaa: {  	[dreg:$0x4] =	wrdreg $0xC0  }
0xab: {  	_ =	task [dreg:s7], $0x5FFFF  }
0xac: {  	[dreg:$0x1] =	wrdreg $0xFFFFFFFF  }
0xad: {  	[dreg:$0x0] =	wrdreg $0x60  }
0xae: {  	[dreg:$0x2] =	wrdreg s24  }
0xaf: {  	[dreg:$0x3] =	wrdreg s2  }
0xb0: {  	[dreg:$0x4] =	wrdreg $0x2B000  }
0xb1: {  	[dreg:$0x5] =	wrdreg $0x9  }
0xb2: {  	_ =	task.clear_ibuf [dreg:s7], $0x6FFFF;
	_ =	strace $0x90000046  }
0xb3: {  	s29 =	simm.s32 $0x9;
	_ =	strace $0x80000048  }
0xb4: {  	_ =	swait.ge [sflag:s29], $0x1  }
0xb5: {  	[sflag:s29] =	ssyncadd.s32 $0xFFFFFFFF  }
0xb6: {  	_ =	strace $0x90000048  }
0xb7: {  	_ =	sfence  }
0xb8: {  	s30 =	sld [smem:$0x0];
	_ =	sdelay $0x2  }
0xb9: {  	s31 =	sshll.u32 s1, $0xD;
	s1 =	sshrl.u32 s1, $0x2  }
0xba: {  	s3 =	sand.u32 $0x4000, s31;
	s1 =	sadd.s32 s1, s30  }
0xbb: {  	s0 =	sor.u32 s3, s0;
	s1 =	sshll.u32 s1, $0x11  }
0xbc: {  	s0 =	sor.u32 s1, s0  }
0xbd: {  	s0 =	sadd.s32 $0x8F2B, s0  }
0xbe: {  	[sflag:s0] =	ssyncadd.remote.s32 $0x1  }
0xbf: {  	_ =	sfence.sel $0xFFFF  }
0xc0: {  	[dreg:$0x0] =	wrdreg $0xFFFFFFFF;
	(pc) =	sbr.abs _section_cstart, $3  }
0xc1: {  	[dreg:$0x1] =	wrdreg $0xFFFFFFFF  }
0xc2: {  	_ =	task.clear_ibuf [dreg:s7], $0x2FFFF;
	_ =	strace $0x9FFFFFFF  }
0xc3: {  	(tm) =	ssettm $0x7FFFFFFF  }
tec
execute0_lowered:
.L_overlay_start_1:
0x0: {  	(tag) =	ssettag $0x1  }
0x1: {  	s4 =	rddreg [dreg:$0x0]  }
0x2: {  	s0 =	srdreg.scid;
	s6 =	rddreg [dreg:$0x1]  }
0x3: {  	s2 =	rddreg [dreg:$0x2];
	s1 =	stileid.u32  }
0x4: {  	s3 =	simm.s32 $0x0;
	s11 =	simm.s32 $0x80;
	s12 =	simm.s32 $0x2800  }
0x5: {  	s15 =	simm.s32 $0x20;
	s16 =	simm.s32 $0x10;
	s17 =	simm.s32 $0x0  }
0x6: {  	s5 =	sand.u32 $0x1, s0;
	s0 =	rddreg [dreg:$0x3];
	s8 =	smul.u32 $0x500, s1  }
0x7: {  	[smem:$0x7FF] =	sst s3;
	s10 =	smul.u32 $0xA00, s1;
	s13 =	sshll.u32 s1, $0x6  }
0x8: {  	s7 =	sshll.u32 s5, $0x4;
	_ =	strace $0x80000047;
	s9 =	ssub.s32 $0x2, s5  }
0x9: {  	s5 =	sshll.u32 s5, $0x7;
	s13 =	sor.u32 $0x1C02, s13;
	s7 =	sor.u32 s1, s7  }
0xa: {  	s29 =	sshrl.u32 s9, $0x1;
	s5 =	sor.u32 s5, s8;
	s30 =	sshrl.u32 s10, $0x2  }
0xb: {  	s8 =	simm.s32 $0x1;
	s7 =	smul.u32 $0x500, s7;
	s31 =	sshrl.u32 s5, $0x3  }
0xc: {  	s10 =	simm.s32 $0x2;
	s5 =	sadd.s32 s30, s2;
	s6 =	sadd.s32 s6, s31  }
0xd: {  	s14 =	sshrl.u32 s5, $0x3;
	s4 =	sadd.s32 s7, s4;
	s7 =	ssub.s32 s9, s29  }
0xe: {  	v0 =	vimm.f32 $1.000000000e+00;
	v1 =	vimm.f32 $0.0e+00;
	s9 =	simm.s32 $0x2880;
	s4 =	sadd.s32 $0x1600, s4;
	s7 =	smax.u32 s7, $0x1  }
.LBB2_1:
0xf: {  	[tilespmem:s3], [sflag:$0x1] =	stream.linear.gather [hbm4b:s4+s3], $0x2800, $0x38;
	[tilespmem:$0x2D80] =	vst v63  }
0x10: {  	[tilespmem:$0x2800] =	vst v0  }
0x11: {  	[tilespmem:$0x2810] =	vst v0  }
0x12: {  	[tilespmem:$0x2820] =	vst v0  }
0x13: {  	[tilespmem:$0x2830] =	vst v0  }
0x14: {  	[tilespmem:$0x2840] =	vst v0  }
0x15: {  	[tilespmem:$0x2850] =	vst v0  }
0x16: {  	[tilespmem:$0x2860] =	vst v0  }
0x17: {  	[tilespmem:$0x2870] =	vst v0  }
0x18: {  	[tilespmem:$0x2880] =	vst v1  }
0x19: {  	[tilespmem:$0x2890] =	vst v1  }
0x1a: {  	[tilespmem:$0x28A0] =	vst v1  }
0x1b: {  	[tilespmem:$0x28B0] =	vst v1  }
0x1c: {  	[tilespmem:$0x28C0] =	vst v1  }
0x1d: {  	[tilespmem:$0x28D0] =	vst v1  }
0x1e: {  	[tilespmem:$0x28E0] =	vst v1  }
0x1f: {  	[tilespmem:$0x28F0] =	vst v1  }
0x20: {  	[tilespmem:$0x2900] =	vst v1  }
0x21: {  	[tilespmem:$0x2910] =	vst v1  }
0x22: {  	[tilespmem:$0x2920] =	vst v1  }
0x23: {  	[tilespmem:$0x2930] =	vst v1  }
0x24: {  	[tilespmem:$0x2940] =	vst v1  }
0x25: {  	[tilespmem:$0x2950] =	vst v1  }
0x26: {  	[tilespmem:$0x2960] =	vst v1  }
0x27: {  	[tilespmem:$0x2970] =	vst v1  }
0x28: {  	[tilespmem:$0x2980] =	vst v1  }
0x29: {  	[tilespmem:$0x2990] =	vst v1  }
0x2a: {  	[tilespmem:$0x29A0] =	vst v1  }
0x2b: {  	[tilespmem:$0x29B0] =	vst v1  }
0x2c: {  	[tilespmem:$0x29C0] =	vst v1  }
0x2d: {  	[tilespmem:$0x29D0] =	vst v1  }
0x2e: {  	[tilespmem:$0x29E0] =	vst v1  }
0x2f: {  	[tilespmem:$0x29F0] =	vst v1  }
0x30: {  	[tilespmem:$0x2A00] =	vst v1  }
0x31: {  	[tilespmem:$0x2A10] =	vst v1  }
0x32: {  	[tilespmem:$0x2A20] =	vst v1  }
0x33: {  	[tilespmem:$0x2A30] =	vst v1  }
0x34: {  	[tilespmem:$0x2A40] =	vst v1  }
0x35: {  	[tilespmem:$0x2A50] =	vst v1  }
0x36: {  	[tilespmem:$0x2A60] =	vst v1  }
0x37: {  	[tilespmem:$0x2A70] =	vst v1  }
0x38: {  	[tilespmem:$0x2A80] =	vst v1  }
0x39: {  	[tilespmem:$0x2A90] =	vst v1  }
0x3a: {  	[tilespmem:$0x2AA0] =	vst v1  }
0x3b: {  	[tilespmem:$0x2AB0] =	vst v1  }
0x3c: {  	[tilespmem:$0x2AC0] =	vst v1  }
0x3d: {  	[tilespmem:$0x2AD0] =	vst v1  }
0x3e: {  	[tilespmem:$0x2AE0] =	vst v1  }
0x3f: {  	[tilespmem:$0x2AF0] =	vst v1  }
0x40: {  	_ =	swait.ge [sflag:s8], $0x2800  }
0x41: {  	[sflag:s8] =	ssyncset.done $0x0  }
0x42: {  	[sflag:s8] =	ssyncadd.s32 $0xFFFFD800  }
0x43: {  	[spmem:s5] =	stream.linear.scatter [tilespmem:s9], [sflag:$0x2], $0x280, $0x38;
	[tilespmem:$0x2D80] =	vst v63  }
0x44: {  	_ =	swait.ge [sflag:s10], $0x280  }
0x45: {  	[sflag:s10] =	ssyncset.done $0x0  }
0x46: {  	[sflag:s10] =	ssyncadd.s32 $0xFFFFFD80  }
0x47: {  	s18 =	simm.s32 $0x0;
	[bflag:$0x0] =	sbarrier.arrive $0xFFFF  }
0x48: {  	[spmem:s2] =	stream.indirect.scatter.add.f32 [tilespmem:s12], [sflag:$0x1], $0x1, s18, s11, $0xb8;
	[tilespmem:$0x2D80] =	vst v63  }
0x49: {  	s29 =	simm.s32 $0x80  }
0x4a: {  	[spmem:s2] =	stream.indirect.scatter.add.f32 [tilespmem:s12], [sflag:$0x1], $0x1, s29, s11, $0xb8;
	[tilespmem:$0x2D80] =	vst v63  }
0x4b: {  	s30 =	simm.s32 $0x100  }
0x4c: {  	[spmem:s2] =	stream.indirect.scatter.add.f32 [tilespmem:s12], [sflag:$0x1], $0x1, s30, s11, $0xb8;
	[tilespmem:$0x2D80] =	vst v63  }
0x4d: {  	s31 =	simm.s32 $0x180  }
0x4e: {  	[spmem:s2] =	stream.indirect.scatter.add.f32 [tilespmem:s12], [sflag:$0x1], $0x1, s31, s11, $0xb8;
	[tilespmem:$0x2D80] =	vst v63  }
0x4f: {  	s19 =	simm.s32 $0x200  }
0x50: {  	[spmem:s2] =	stream.indirect.scatter.add.f32 [tilespmem:s12], [sflag:$0x1], $0x1, s19, s11, $0xb8;
	[tilespmem:$0x2D80] =	vst v63  }
0x51: {  	s20 =	simm.s32 $0x280  }
0x52: {  	[spmem:s2] =	stream.indirect.scatter.add.f32 [tilespmem:s12], [sflag:$0x1], $0x1, s20, s11, $0xb8;
	[tilespmem:$0x2D80] =	vst v63  }
0x53: {  	s21 =	simm.s32 $0x300  }
0x54: {  	[spmem:s2] =	stream.indirect.scatter.add.f32 [tilespmem:s12], [sflag:$0x1], $0x1, s21, s11, $0xb8;
	[tilespmem:$0x2D80] =	vst v63  }
0x55: {  	s22 =	simm.s32 $0x380  }
0x56: {  	[spmem:s2] =	stream.indirect.scatter.add.f32 [tilespmem:s12], [sflag:$0x1], $0x1, s22, s11, $0xb8;
	[tilespmem:$0x2D80] =	vst v63  }
0x57: {  	s23 =	simm.s32 $0x400  }
0x58: {  	[spmem:s2] =	stream.indirect.scatter.add.f32 [tilespmem:s12], [sflag:$0x1], $0x1, s23, s11, $0xb8;
	[tilespmem:$0x2D80] =	vst v63  }
0x59: {  	s24 =	simm.s32 $0x480  }
0x5a: {  	[spmem:s2] =	stream.indirect.scatter.add.f32 [tilespmem:s12], [sflag:$0x1], $0x1, s24, s11, $0xb8;
	[tilespmem:$0x2D80] =	vst v63  }
0x5b: {  	s25 =	simm.s32 $0x500  }
0x5c: {  	[spmem:s2] =	stream.indirect.scatter.add.f32 [tilespmem:s12], [sflag:$0x1], $0x1, s25, s11, $0xb8;
	[tilespmem:$0x2D80] =	vst v63  }
0x5d: {  	s26 =	simm.s32 $0x580  }
0x5e: {  	[spmem:s2] =	stream.indirect.scatter.add.f32 [tilespmem:s12], [sflag:$0x1], $0x1, s26, s11, $0xb8;
	[tilespmem:$0x2D80] =	vst v63  }
0x5f: {  	s28 =	simm.s32 $0x600  }
0x60: {  	[spmem:s2] =	stream.indirect.scatter.add.f32 [tilespmem:s12], [sflag:$0x1], $0x1, s28, s11, $0xb8;
	[tilespmem:$0x2D80] =	vst v63  }
0x61: {  	s29 =	simm.s32 $0x680  }
0x62: {  	[spmem:s2] =	stream.indirect.scatter.add.f32 [tilespmem:s12], [sflag:$0x1], $0x1, s29, s11, $0xb8;
	[tilespmem:$0x2D80] =	vst v63  }
0x63: {  	s30 =	simm.s32 $0x700  }
0x64: {  	[spmem:s2] =	stream.indirect.scatter.add.f32 [tilespmem:s12], [sflag:$0x1], $0x1, s30, s11, $0xb8;
	[tilespmem:$0x2D80] =	vst v63  }
0x65: {  	s31 =	simm.s32 $0x780  }
0x66: {  	[spmem:s2] =	stream.indirect.scatter.add.f32 [tilespmem:s12], [sflag:$0x1], $0x1, s31, s11, $0xb8;
	[tilespmem:$0x2D80] =	vst v63  }
0x67: {  	_ =	swait.ge [sflag:s8], $0x80  }
0x68: {  	[sflag:s8] =	ssyncset.done $0x0  }
0x69: {  	[sflag:s8] =	ssyncadd.s32 $0xFFFFFF80  }
0x6a: {  	_ =	swait.ge [sflag:s8], $0x80  }
0x6b: {  	[sflag:s8] =	ssyncset.done $0x0  }
0x6c: {  	[sflag:s8] =	ssyncadd.s32 $0xFFFFFF80  }
0x6d: {  	_ =	swait.ge [sflag:s8], $0x80  }
0x6e: {  	[sflag:s8] =	ssyncset.done $0x0  }
0x6f: {  	[sflag:s8] =	ssyncadd.s32 $0xFFFFFF80  }
0x70: {  	_ =	swait.ge [sflag:s8], $0x80  }
0x71: {  	[sflag:s8] =	ssyncset.done $0x0  }
0x72: {  	[sflag:s8] =	ssyncadd.s32 $0xFFFFFF80  }
0x73: {  	_ =	swait.ge [sflag:s8], $0x80  }
0x74: {  	[sflag:s8] =	ssyncset.done $0x0  }
0x75: {  	[sflag:s8] =	ssyncadd.s32 $0xFFFFFF80  }
0x76: {  	_ =	swait.ge [sflag:s8], $0x80  }
0x77: {  	[sflag:s8] =	ssyncset.done $0x0  }
0x78: {  	[sflag:s8] =	ssyncadd.s32 $0xFFFFFF80  }
0x79: {  	_ =	swait.ge [sflag:s8], $0x80  }
0x7a: {  	[sflag:s8] =	ssyncset.done $0x0  }
0x7b: {  	[sflag:s8] =	ssyncadd.s32 $0xFFFFFF80  }
0x7c: {  	_ =	swait.ge [sflag:s8], $0x80  }
0x7d: {  	[sflag:s8] =	ssyncset.done $0x0  }
0x7e: {  	[sflag:s8] =	ssyncadd.s32 $0xFFFFFF80  }
0x7f: {  	_ =	swait.ge [sflag:s8], $0x80  }
0x80: {  	[sflag:s8] =	ssyncset.done $0x0  }
0x81: {  	[sflag:s8] =	ssyncadd.s32 $0xFFFFFF80  }
0x82: {  	_ =	swait.ge [sflag:s8], $0x80  }
0x83: {  	[sflag:s8] =	ssyncset.done $0x0  }
0x84: {  	[sflag:s8] =	ssyncadd.s32 $0xFFFFFF80  }
0x85: {  	_ =	swait.ge [sflag:s8], $0x80  }
0x86: {  	[sflag:s8] =	ssyncset.done $0x0  }
0x87: {  	[sflag:s8] =	ssyncadd.s32 $0xFFFFFF80  }
0x88: {  	_ =	swait.ge [sflag:s8], $0x80  }
0x89: {  	[sflag:s8] =	ssyncset.done $0x0  }
0x8a: {  	[sflag:s8] =	ssyncadd.s32 $0xFFFFFF80  }
0x8b: {  	_ =	swait.ge [sflag:s8], $0x80  }
0x8c: {  	[sflag:s8] =	ssyncset.done $0x0  }
0x8d: {  	[sflag:s8] =	ssyncadd.s32 $0xFFFFFF80  }
0x8e: {  	_ =	swait.ge [sflag:s8], $0x80  }
0x8f: {  	[sflag:s8] =	ssyncset.done $0x0  }
0x90: {  	[sflag:s8] =	ssyncadd.s32 $0xFFFFFF80  }
0x91: {  	_ =	swait.ge [sflag:s8], $0x80  }
0x92: {  	[sflag:s8] =	ssyncset.done $0x0  }
0x93: {  	[sflag:s8] =	ssyncadd.s32 $0xFFFFFF80  }
0x94: {  	_ =	swait.ge [sflag:s8], $0x80  }
0x95: {  	s18 =	simm.s32 $0x2000;
	s21 =	simm.s32 $0x4000;
	[sflag:s8] =	ssyncset.done $0x0  }
.LBB2_2:
0x96: {  	s20 =	sshra.s32 s18, $0x2  }
0x97: {  	[sflag:s8] =	ssyncadd.s32 $0xFFFFFF80;
	s18 =	smov.u32 s21;
	s19 =	sadd.s32 $0x2000, s21  }
0x98: {  	[spmem:s2] =	stream.indirect.scatter.add.f32 [tilespmem:s12], [sflag:$0x1], $0x1, s20, s11, $0xb8;
	[tilespmem:$0x2D80] =	vst v63  }
0x99: {  	p0 =	sne.s32 s21, $0x8000;
	s21 =	sadd.s32 $0x80, s20  }
0x9a: {  	[spmem:s2] =	stream.indirect.scatter.add.f32 [tilespmem:s12], [sflag:$0x1], $0x1, s21, s11, $0xb8;
	[tilespmem:$0x2D80] =	vst v63  }
0x9b: {  	s21 =	sadd.s32 $0x100, s20  }
0x9c: {  	[spmem:s2] =	stream.indirect.scatter.add.f32 [tilespmem:s12], [sflag:$0x1], $0x1, s21, s11, $0xb8;
	[tilespmem:$0x2D80] =	vst v63  }
0x9d: {  	s21 =	sadd.s32 $0x180, s20  }
0x9e: {  	[spmem:s2] =	stream.indirect.scatter.add.f32 [tilespmem:s12], [sflag:$0x1], $0x1, s21, s11, $0xb8;
	[tilespmem:$0x2D80] =	vst v63  }
0x9f: {  	s21 =	sadd.s32 $0x200, s20  }
0xa0: {  	[spmem:s2] =	stream.indirect.scatter.add.f32 [tilespmem:s12], [sflag:$0x1], $0x1, s21, s11, $0xb8;
	[tilespmem:$0x2D80] =	vst v63  }
0xa1: {  	s21 =	sadd.s32 $0x280, s20  }
0xa2: {  	[spmem:s2] =	stream.indirect.scatter.add.f32 [tilespmem:s12], [sflag:$0x1], $0x1, s21, s11, $0xb8;
	[tilespmem:$0x2D80] =	vst v63  }
0xa3: {  	s21 =	sadd.s32 $0x300, s20  }
0xa4: {  	[spmem:s2] =	stream.indirect.scatter.add.f32 [tilespmem:s12], [sflag:$0x1], $0x1, s21, s11, $0xb8;
	[tilespmem:$0x2D80] =	vst v63  }
0xa5: {  	s21 =	sadd.s32 $0x380, s20  }
0xa6: {  	[spmem:s2] =	stream.indirect.scatter.add.f32 [tilespmem:s12], [sflag:$0x1], $0x1, s21, s11, $0xb8;
	[tilespmem:$0x2D80] =	vst v63  }
0xa7: {  	s21 =	sadd.s32 $0x400, s20  }
0xa8: {  	[spmem:s2] =	stream.indirect.scatter.add.f32 [tilespmem:s12], [sflag:$0x1], $0x1, s21, s11, $0xb8;
	[tilespmem:$0x2D80] =	vst v63  }
0xa9: {  	s21 =	sadd.s32 $0x480, s20  }
0xaa: {  	[spmem:s2] =	stream.indirect.scatter.add.f32 [tilespmem:s12], [sflag:$0x1], $0x1, s21, s11, $0xb8;
	[tilespmem:$0x2D80] =	vst v63  }
0xab: {  	s21 =	sadd.s32 $0x500, s20  }
0xac: {  	[spmem:s2] =	stream.indirect.scatter.add.f32 [tilespmem:s12], [sflag:$0x1], $0x1, s21, s11, $0xb8;
	[tilespmem:$0x2D80] =	vst v63  }
0xad: {  	s21 =	sadd.s32 $0x580, s20  }
0xae: {  	[spmem:s2] =	stream.indirect.scatter.add.f32 [tilespmem:s12], [sflag:$0x1], $0x1, s21, s11, $0xb8;
	[tilespmem:$0x2D80] =	vst v63  }
0xaf: {  	s21 =	sadd.s32 $0x600, s20  }
0xb0: {  	[spmem:s2] =	stream.indirect.scatter.add.f32 [tilespmem:s12], [sflag:$0x1], $0x1, s21, s11, $0xb8;
	[tilespmem:$0x2D80] =	vst v63  }
0xb1: {  	s21 =	sadd.s32 $0x680, s20  }
0xb2: {  	[spmem:s2] =	stream.indirect.scatter.add.f32 [tilespmem:s12], [sflag:$0x1], $0x1, s21, s11, $0xb8;
	[tilespmem:$0x2D80] =	vst v63  }
0xb3: {  	s21 =	sadd.s32 $0x700, s20  }
0xb4: {  	[spmem:s2] =	stream.indirect.scatter.add.f32 [tilespmem:s12], [sflag:$0x1], $0x1, s21, s11, $0xb8;
	[tilespmem:$0x2D80] =	vst v63  }
0xb5: {  	s20 =	sadd.s32 $0x780, s20  }
0xb6: {  	[spmem:s2] =	stream.indirect.scatter.add.f32 [tilespmem:s12], [sflag:$0x1], $0x1, s20, s11, $0xb8;
	[tilespmem:$0x2D80] =	vst v63  }
0xb7: {  	_ =	swait.ge [sflag:s8], $0x80  }
0xb8: {  	[sflag:s8] =	ssyncset.done $0x0  }
0xb9: {  	[sflag:s8] =	ssyncadd.s32 $0xFFFFFF80  }
0xba: {  	_ =	swait.ge [sflag:s8], $0x80  }
0xbb: {  	[sflag:s8] =	ssyncset.done $0x0  }
0xbc: {  	[sflag:s8] =	ssyncadd.s32 $0xFFFFFF80  }
0xbd: {  	_ =	swait.ge [sflag:s8], $0x80  }
0xbe: {  	[sflag:s8] =	ssyncset.done $0x0  }
0xbf: {  	[sflag:s8] =	ssyncadd.s32 $0xFFFFFF80  }
0xc0: {  	_ =	swait.ge [sflag:s8], $0x80  }
0xc1: {  	[sflag:s8] =	ssyncset.done $0x0  }
0xc2: {  	[sflag:s8] =	ssyncadd.s32 $0xFFFFFF80  }
0xc3: {  	_ =	swait.ge [sflag:s8], $0x80  }
0xc4: {  	[sflag:s8] =	ssyncset.done $0x0  }
0xc5: {  	[sflag:s8] =	ssyncadd.s32 $0xFFFFFF80  }
0xc6: {  	_ =	swait.ge [sflag:s8], $0x80  }
0xc7: {  	[sflag:s8] =	ssyncset.done $0x0  }
0xc8: {  	[sflag:s8] =	ssyncadd.s32 $0xFFFFFF80  }
0xc9: {  	_ =	swait.ge [sflag:s8], $0x80  }
0xca: {  	[sflag:s8] =	ssyncset.done $0x0  }
0xcb: {  	[sflag:s8] =	ssyncadd.s32 $0xFFFFFF80  }
0xcc: {  	_ =	swait.ge [sflag:s8], $0x80  }
0xcd: {  	[sflag:s8] =	ssyncset.done $0x0  }
0xce: {  	[sflag:s8] =	ssyncadd.s32 $0xFFFFFF80  }
0xcf: {  	_ =	swait.ge [sflag:s8], $0x80  }
0xd0: {  	[sflag:s8] =	ssyncset.done $0x0  }
0xd1: {  	[sflag:s8] =	ssyncadd.s32 $0xFFFFFF80  }
0xd2: {  	_ =	swait.ge [sflag:s8], $0x80  }
0xd3: {  	[sflag:s8] =	ssyncset.done $0x0  }
0xd4: {  	[sflag:s8] =	ssyncadd.s32 $0xFFFFFF80  }
0xd5: {  	_ =	swait.ge [sflag:s8], $0x80  }
0xd6: {  	[sflag:s8] =	ssyncset.done $0x0  }
0xd7: {  	[sflag:s8] =	ssyncadd.s32 $0xFFFFFF80  }
0xd8: {  	_ =	swait.ge [sflag:s8], $0x80  }
0xd9: {  	[sflag:s8] =	ssyncset.done $0x0  }
0xda: {  	[sflag:s8] =	ssyncadd.s32 $0xFFFFFF80  }
0xdb: {  	_ =	swait.ge [sflag:s8], $0x80  }
0xdc: {  	[sflag:s8] =	ssyncset.done $0x0  }
0xdd: {  	[sflag:s8] =	ssyncadd.s32 $0xFFFFFF80  }
0xde: {  	_ =	swait.ge [sflag:s8], $0x80  }
0xdf: {  	[sflag:s8] =	ssyncset.done $0x0  }
0xe0: {  	[sflag:s8] =	ssyncadd.s32 $0xFFFFFF80  }
.Ltmp0:
0xe1: {  	_ =	swait.ge [sflag:s8], $0x80;
	(pc) =	sbr.rel @p0 .LBB2_2-.Ltmp0, $4  }
0xe2: {  	[sflag:s8] =	ssyncset.done $0x0  }
0xe3: {  	[sflag:s8] =	ssyncadd.s32 $0xFFFFFF80  }
0xe4: {  	_ =	swait.ge [sflag:s8], $0x80  }
0xe5: {  	s21 =	smov.u32 s19;
	[sflag:s8] =	ssyncset.done $0x0  }
0xe6: {  	s18 =	sshra.s32 s18, $0x2;
	[sflag:s8] =	ssyncadd.s32 $0xFFFFFF80  }
0xe7: {  	[spmem:s2] =	stream.indirect.scatter.add.f32 [tilespmem:s12], [sflag:$0x1], $0x1, s18, s11, $0xb8;
	[tilespmem:$0x2D80] =	vst v63  }
0xe8: {  	s19 =	sadd.s32 $0x80, s18  }
0xe9: {  	[spmem:s2] =	stream.indirect.scatter.add.f32 [tilespmem:s12], [sflag:$0x1], $0x1, s19, s11, $0xb8;
	[tilespmem:$0x2D80] =	vst v63  }
0xea: {  	s30 =	sadd.s32 $0x100, s18  }
0xeb: {  	[spmem:s2] =	stream.indirect.scatter.add.f32 [tilespmem:s12], [sflag:$0x1], $0x1, s30, s11, $0xb8;
	[tilespmem:$0x2D80] =	vst v63  }
0xec: {  	s31 =	sadd.s32 $0x180, s18  }
0xed: {  	[spmem:s2] =	stream.indirect.scatter.add.f32 [tilespmem:s12], [sflag:$0x1], $0x1, s31, s11, $0xb8;
	[tilespmem:$0x2D80] =	vst v63  }
0xee: {  	s20 =	sadd.s32 $0x200, s18  }
0xef: {  	[spmem:s2] =	stream.indirect.scatter.add.f32 [tilespmem:s12], [sflag:$0x1], $0x1, s20, s11, $0xb8;
	[tilespmem:$0x2D80] =	vst v63  }
0xf0: {  	s21 =	sadd.s32 $0x280, s18  }
0xf1: {  	[spmem:s2] =	stream.indirect.scatter.add.f32 [tilespmem:s12], [sflag:$0x1], $0x1, s21, s11, $0xb8;
	[tilespmem:$0x2D80] =	vst v63  }
0xf2: {  	s22 =	sadd.s32 $0x300, s18  }
0xf3: {  	[spmem:s2] =	stream.indirect.scatter.add.f32 [tilespmem:s12], [sflag:$0x1], $0x1, s22, s11, $0xb8;
	[tilespmem:$0x2D80] =	vst v63  }
0xf4: {  	s23 =	sadd.s32 $0x380, s18  }
0xf5: {  	[spmem:s2] =	stream.indirect.scatter.add.f32 [tilespmem:s12], [sflag:$0x1], $0x1, s23, s11, $0xb8;
	[tilespmem:$0x2D80] =	vst v63  }
0xf6: {  	s24 =	sadd.s32 $0x400, s18  }
0xf7: {  	[spmem:s2] =	stream.indirect.scatter.add.f32 [tilespmem:s12], [sflag:$0x1], $0x1, s24, s11, $0xb8;
	[tilespmem:$0x2D80] =	vst v63  }
0xf8: {  	s25 =	sadd.s32 $0x480, s18  }
0xf9: {  	[spmem:s2] =	stream.indirect.scatter.add.f32 [tilespmem:s12], [sflag:$0x1], $0x1, s25, s11, $0xb8;
	[tilespmem:$0x2D80] =	vst v63  }
0xfa: {  	s26 =	sadd.s32 $0x500, s18  }
0xfb: {  	[spmem:s2] =	stream.indirect.scatter.add.f32 [tilespmem:s12], [sflag:$0x1], $0x1, s26, s11, $0xb8;
	[tilespmem:$0x2D80] =	vst v63  }
0xfc: {  	s28 =	sadd.s32 $0x580, s18  }
0xfd: {  	[spmem:s2] =	stream.indirect.scatter.add.f32 [tilespmem:s12], [sflag:$0x1], $0x1, s28, s11, $0xb8;
	[tilespmem:$0x2D80] =	vst v63  }
0xfe: {  	s29 =	sadd.s32 $0x600, s18  }
0xff: {  	[spmem:s2] =	stream.indirect.scatter.add.f32 [tilespmem:s12], [sflag:$0x1], $0x1, s29, s11, $0xb8;
	[tilespmem:$0x2D80] =	vst v63  }
0x100: {  	s30 =	sadd.s32 $0x680, s18  }
0x101: {  	[spmem:s2] =	stream.indirect.scatter.add.f32 [tilespmem:s12], [sflag:$0x1], $0x1, s30, s11, $0xb8;
	[tilespmem:$0x2D80] =	vst v63  }
0x102: {  	s31 =	sadd.s32 $0x700, s18  }
0x103: {  	[spmem:s2] =	stream.indirect.scatter.add.f32 [tilespmem:s12], [sflag:$0x1], $0x1, s31, s11, $0xb8;
	[tilespmem:$0x2D80] =	vst v63  }
0x104: {  	s18 =	sadd.s32 $0x780, s18  }
0x105: {  	[spmem:s2] =	stream.indirect.scatter.add.f32 [tilespmem:s12], [sflag:$0x1], $0x1, s18, s11, $0xb8;
	[tilespmem:$0x2D80] =	vst v63  }
0x106: {  	_ =	swait.ge [sflag:s8], $0x80  }
0x107: {  	[sflag:s8] =	ssyncset.done $0x0  }
0x108: {  	[sflag:s8] =	ssyncadd.s32 $0xFFFFFF80  }
0x109: {  	_ =	swait.ge [sflag:s8], $0x80  }
0x10a: {  	[sflag:s8] =	ssyncset.done $0x0  }
0x10b: {  	[sflag:s8] =	ssyncadd.s32 $0xFFFFFF80  }
0x10c: {  	_ =	swait.ge [sflag:s8], $0x80  }
0x10d: {  	[sflag:s8] =	ssyncset.done $0x0  }
0x10e: {  	[sflag:s8] =	ssyncadd.s32 $0xFFFFFF80  }
0x10f: {  	_ =	swait.ge [sflag:s8], $0x80  }
0x110: {  	[sflag:s8] =	ssyncset.done $0x0  }
0x111: {  	[sflag:s8] =	ssyncadd.s32 $0xFFFFFF80  }
0x112: {  	_ =	swait.ge [sflag:s8], $0x80  }
0x113: {  	[sflag:s8] =	ssyncset.done $0x0  }
0x114: {  	[sflag:s8] =	ssyncadd.s32 $0xFFFFFF80  }
0x115: {  	_ =	swait.ge [sflag:s8], $0x80  }
0x116: {  	[sflag:s8] =	ssyncset.done $0x0  }
0x117: {  	[sflag:s8] =	ssyncadd.s32 $0xFFFFFF80  }
0x118: {  	_ =	swait.ge [sflag:s8], $0x80  }
0x119: {  	[sflag:s8] =	ssyncset.done $0x0  }
0x11a: {  	[sflag:s8] =	ssyncadd.s32 $0xFFFFFF80  }
0x11b: {  	_ =	swait.ge [sflag:s8], $0x80  }
0x11c: {  	[sflag:s8] =	ssyncset.done $0x0  }
0x11d: {  	[sflag:s8] =	ssyncadd.s32 $0xFFFFFF80  }
0x11e: {  	_ =	swait.ge [sflag:s8], $0x80  }
0x11f: {  	[sflag:s8] =	ssyncset.done $0x0  }
0x120: {  	[sflag:s8] =	ssyncadd.s32 $0xFFFFFF80  }
0x121: {  	_ =	swait.ge [sflag:s8], $0x80  }
0x122: {  	[sflag:s8] =	ssyncset.done $0x0  }
0x123: {  	[sflag:s8] =	ssyncadd.s32 $0xFFFFFF80  }
0x124: {  	_ =	swait.ge [sflag:s8], $0x80  }
0x125: {  	[sflag:s8] =	ssyncset.done $0x0  }
0x126: {  	[sflag:s8] =	ssyncadd.s32 $0xFFFFFF80  }
0x127: {  	_ =	swait.ge [sflag:s8], $0x80  }
0x128: {  	[sflag:s8] =	ssyncset.done $0x0  }
0x129: {  	[sflag:s8] =	ssyncadd.s32 $0xFFFFFF80  }
0x12a: {  	_ =	swait.ge [sflag:s8], $0x80  }
0x12b: {  	[sflag:s8] =	ssyncset.done $0x0  }
0x12c: {  	[sflag:s8] =	ssyncadd.s32 $0xFFFFFF80  }
0x12d: {  	_ =	swait.ge [sflag:s8], $0x80  }
0x12e: {  	[sflag:s8] =	ssyncset.done $0x0  }
0x12f: {  	[sflag:s8] =	ssyncadd.s32 $0xFFFFFF80  }
0x130: {  	_ =	swait.ge [sflag:s8], $0x80  }
0x131: {  	[sflag:s8] =	ssyncset.done $0x0  }
0x132: {  	[sflag:s8] =	ssyncadd.s32 $0xFFFFFF80  }
0x133: {  	_ =	swait.ge [sflag:s8], $0x80  }
0x134: {  	s17 =	sadd.s32 $0x1, s17;
	[sflag:s8] =	ssyncset.done $0x0  }
0x135: {  	p0 =	sne.s32 s17, s7;
	[sflag:s8] =	ssyncadd.s32 $0xFFFFFF80  }
.Ltmp1:
0x136: {  	[bflag:$0x0] =	sbarrier.arrive $0xFFFF;
	(pc) =	sbr.rel @p0 .LBB2_1-.Ltmp1, $4  }
0x137: {  	[hbm:s6@s15], [sflag:s13] =	dma.strided [spmem:s14@s16], $0x50, s8, $0x10   }
0x138: {  	_ =	swait.ge [sflag:s10], $0x50  }
0x139: {  	[sflag:s10] =	ssyncset.done $0x0  }
0x13a: {  	[sflag:s10] =	ssyncadd.s32 $0xFFFFFFB0  }
0x13b: {  	_ =	sfence.sel $0x180000  }
0x13c: {  	[bflag:$0x0] =	sbarrier.arrive $0xFFFF  }
0x13d: {  	p0 =	sne.s32 s1, $0x0;
	_ =	strace $0x90000047  }
0x13e: {  	s0 =	sadd.s32 @!p0 $0x100000, s0;
	[bflag:$0x2] =	sbarrier.arrive $0xFFFF  }
0x13f: {  	[sflag:s0] =	ssyncadd.tile.s32 @!p0 $0x1;
	_ =	shalt  }
.Lfunc_end2:
_tile_overlayer_lowered:
.L_overlay_start_2:
0x140: {  	(tag) =	ssettag $0x2  }
0x141: {  	s0 =	rddreg [dreg:$0x0];
	s2 =	stileid.u32  }
0x142: {  	s1 =	rddreg [dreg:$0x1];
	p0 =	sne.s32 s2, $0x0  }
0x143: {  	s3 =	rddreg [dreg:$0x2];
	[bflag:$0x3] =	sbarrier.arrive $0xFFFF;
	s2 =	simm.s32 @!p0 $0x1C02  }
0x144: {  	[timem:s3], [sflag:s2] =	dma.local @!p0 [hbm:s0], s1  }
0x145: {  	s0 =	simm.s32 @!p0 $0x2  }
0x146: {  	_ =	swait.ge @!p0 [sflag:s0], s1  }
0x147: {  	s1 =	ssub.s32 @!p0 $0x0, s1;
	[sflag:s0] =	ssyncset.done @!p0 $0x0  }
0x148: {  	[sflag:s0] =	ssyncadd.s32 @!p0 s1  }
0x149: {  	[bflag:$0x3] =	sbarrier.arrive $0xFFFF  }
0x14a: {  	_ =	shalt  }

// kernel: kernel.9.cloned.1.call-start
scs
__scs_entry_jumppad:
0x0: {  	(pc) =	sbr.rel $0x88, $3  }
0x1: {  	(tag) =	ssettag $0x0;
	lr =	simm.s32 $0x1  }
0x2: {  	[smem:$0x3F9D] =	sst lr;
	_ =	strace $0xD0000000  }
0x3: {  	_ = 	snop  }
0x4: {  	_ = 	snop  }
0x5: {  	_ = 	snop  }
0x6: {  	_ = 	snop  }
0x7: {  	_ = 	snop  }
__scs_overlays_trampoline_lowered:
0x8: {  	[smem:$0x3FAC] =	sst s0  }
0x9: {  	[smem:$0x3FAD] =	sst s1  }
0xa: {  	[smem:$0x3FAE] =	sst s2  }
0xb: {  	[smem:$0x3FAF] =	sst s3  }
0xc: {  	[smem:$0x3FB0] =	sst s4  }
0xd: {  	[smem:$0x3FB1] =	sst s5  }
0xe: {  	[smem:$0x3FB2] =	sst s6  }
0xf: {  	[smem:$0x3FB3] =	sst s7  }
0x10: {  	[smem:$0x3FB4] =	sst s8  }
0x11: {  	[smem:$0x3FB5] =	sst s9;
	s0 =	simm.s32 @!p0 $0x0  }
0x12: {  	s1 =	sld [smem:$0x3F9B];
	s0 =	simm.s32 @p0 $0x1  }
0x13: {  	[smem:$0x3FB6] =	sst s0;
	s0 =	simm.s32 @!p1 $0x0  }
0x14: {  	s2 =	sld [smem:$0x3F9A];
	s0 =	simm.s32 @p1 $0x1  }
0x15: {  	[smem:$0x3FB7] =	sst s0;
	s0 =	simm.s32 @!p2 $0x0  }
0x16: {  	s3 =	sld [smem:$0x3FDB];
	s0 =	simm.s32 @p2 $0x1  }
0x17: {  	s4 =	simm.s32 $0x1BF5;
	[smem:$0x3FB9] =	sst s0  }
0x18: {  	s0 =	sld [smem:$0x3F9C];
	_ =	swait.ge [sflag:s4], $0x0  }
0x19: {  	s7 =	sld [smem:$0x3F9D]  }
0x1a: {  	s8 =	sadd.s32 $0xFFFFE003, lr  }
0x1b: {  	s9 =	sadd.s32 $0xFFFFFEF7, lr;
	s5 =	simm.s32 $0xFFFFFFFF;
	p2 =	slt.u32 s8, $0xFFFFF086  }
0x1c: {  	p1 =	slt.u32 s9, $0xF7A;
	s5 =	simm.s32 @!p2 $0x0  }
0x1d: {  	s5 =	simm.s32 @p1 $0x1;
	p0 =	seq.s32 s7, s2  }
0x1e: {  	s7 =	smul.u32 @!p0 $0xF7A, s2;
	p2 =	seq.s32 @!p0 s5, $0x0  }
0x1f: {  	s9 =	smul.u32 $0xF7A, s1;
	s8 =	simm.s32 @!p0 $0x1BF5;
	p2 =	por !p2, p0  }
0x20: {  	[sflag:s8] =	ssyncset.s32 @!p0 $0xFFFFF086;
	s6 =	sadd.s32 @!p0 s3, s7;
	s7 =	simm.s32 @!p0 $0x108  }
0x21: {  	s3 =	sadd.s32 s3, s9;
	s6 =	sadd.s32 @!p0 $0x88, s6;
	s7 =	simm.s32 @p2 $0x1082  }
0x22: {  	[simem:s7], [sflag:s8] =	dma.local @!p0 [hbm:s6], $0xF7A  }
0x23: {  	s9 =	sor.u32 $0xD0000000, s2;
	s6 =	simm.s32 $0x108;
	_ =	swait.ge @!p0 [sflag:s8], $0x0  }
0x24: {  	s3 =	sadd.s32 $0x88, s3;
	s6 =	simm.s32 @!p1 $0x1082;
	[sflag:s4] =	ssyncset.s32 $0xFFFFF086  }
0x25: {  	[simem:s6], [sflag:s4] =	dma.local [hbm:s3], $0xF7A  }
0x26: {  	[smem:$0x3F9D] =	sst s1;
	(tag) =	ssettag s2;
	_ =	strace s9  }
0x27: {  	s1 =	sld [smem:$0x3FAD]  }
0x28: {  	s2 =	sld [smem:$0x3FAE]  }
0x29: {  	s4 =	sld [smem:$0x3FB0]  }
0x2a: {  	p0 =	seq.s32 s5, $0x0;
	s5 =	sld [smem:$0x3FB1]  }
0x2b: {  	s6 =	sld [smem:$0x3FB2]  }
0x2c: {  	s7 =	sld [smem:$0x3FB3]  }
0x2d: {  	s3 =	simm.s32 $0x108;
	s8 =	sld [smem:$0x3FB4]  }
0x2e: {  	s3 =	simm.s32 @!p0 $0x1082;
	s9 =	sld [smem:$0x3FB5]  }
0x2f: {  	lr =	sadd.s32 s0, s3;
	s0 =	sld [smem:$0x3FAC]  }
0x30: {  	s3 =	sld [smem:$0x3FAF]  }
0x31: {  	[smem:$0x3FB8] =	sst s10  }
0x32: {  	s10 =	sld [smem:$0x3FB6];
	_ =	sdelay $0x3  }
0x33: {  	p0 =	seq.s32 s10, $0x1;
	s10 =	sld [smem:$0x3FB8];
	_ =	sdelay $0x3  }
0x34: {  	[smem:$0x3FB8] =	sst s10  }
0x35: {  	s10 =	sld [smem:$0x3FB7];
	_ =	sdelay $0x3  }
0x36: {  	p1 =	seq.s32 s10, $0x1;
	s10 =	sld [smem:$0x3FB8];
	_ =	sdelay $0x3  }
0x37: {  	[smem:$0x3FB8] =	sst s10  }
0x38: {  	s10 =	sld [smem:$0x3FB9]  }
0x39: {  	_ = 	snop;
	(pc) =	sbr.ind lr, $3  }
0x3a: {  	_ = 	snop  }
0x3b: {  	_ = 	snop  }
0x3c: {  	p2 =	seq.s32 s10, $0x1;
	s10 =	sld [smem:$0x3FB8]  }
0x3d: {  	_ =	shalt  }
0x3e: {  	_ =	shalt  }
0x3f: {  	_ =	shalt  }
0x40: {  	_ =	shalt  }
0x41: {  	_ =	shalt  }
0x42: {  	_ =	shalt  }
0x43: {  	_ =	shalt  }
0x44: {  	_ =	shalt  }
0x45: {  	_ =	shalt  }
0x46: {  	_ =	shalt  }
0x47: {  	_ =	shalt  }
0x48: {  	_ =	shalt  }
0x49: {  	_ =	shalt  }
0x4a: {  	_ =	shalt  }
0x4b: {  	_ =	shalt  }
0x4c: {  	_ =	shalt  }
0x4d: {  	_ =	shalt  }
0x4e: {  	_ =	shalt  }
0x4f: {  	_ =	shalt  }
0x50: {  	_ =	shalt  }
0x51: {  	_ =	shalt  }
0x52: {  	_ =	shalt  }
0x53: {  	_ =	shalt  }
0x54: {  	_ =	shalt  }
0x55: {  	_ =	shalt  }
0x56: {  	_ =	shalt  }
0x57: {  	_ =	shalt  }
0x58: {  	_ =	shalt  }
0x59: {  	_ =	shalt  }
0x5a: {  	_ =	shalt  }
0x5b: {  	_ =	shalt  }
0x5c: {  	_ =	shalt  }
0x5d: {  	_ =	shalt  }
0x5e: {  	_ =	shalt  }
0x5f: {  	_ =	shalt  }
0x60: {  	_ =	shalt  }
0x61: {  	_ =	shalt  }
0x62: {  	_ =	shalt  }
0x63: {  	_ =	shalt  }
0x64: {  	_ =	shalt  }
0x65: {  	_ =	shalt  }
0x66: {  	_ =	shalt  }
0x67: {  	_ =	shalt  }
0x68: {  	_ =	shalt  }
0x69: {  	_ =	shalt  }
0x6a: {  	_ =	shalt  }
0x6b: {  	_ =	shalt  }
0x6c: {  	_ =	shalt  }
0x6d: {  	_ =	shalt  }
0x6e: {  	_ =	shalt  }
0x6f: {  	_ =	shalt  }
0x70: {  	_ =	shalt  }
0x71: {  	_ =	shalt  }
0x72: {  	_ =	shalt  }
0x73: {  	_ =	shalt  }
0x74: {  	_ =	shalt  }
0x75: {  	_ =	shalt  }
0x76: {  	_ =	shalt  }
0x77: {  	_ =	shalt  }
0x78: {  	_ =	shalt  }
0x79: {  	_ =	shalt  }
0x7a: {  	_ =	shalt  }
0x7b: {  	_ =	shalt  }
0x7c: {  	_ =	shalt  }
0x7d: {  	_ =	shalt  }
0x7e: {  	_ =	shalt  }
0x7f: {  	_ =	shalt  }
0x80: {  	_ =	shalt  }
0x81: {  	_ =	shalt  }
0x82: {  	_ =	shalt  }
0x83: {  	_ =	shalt  }
0x84: {  	_ =	shalt  }
0x85: {  	_ =	shalt  }
0x86: {  	_ =	shalt  }
0x87: {  	_ =	shalt  }
.Lfunc_end0:
.L_simem_size_0:
called_computation.1_lowered:
.L_overlay_start_0:
0x88: {  	s2 =	sld [smem:$0x3FD9]  }
0x89: {  	s3 =	sld [smem:$0x3FFE];
	_ =	sdelay $0x1  }
0x8a: {  	s1 =	srdreg.scid  }
0x8b: {  	s0 =	sand.u32 $0x1, s1  }
0x8c: {  	s17 =	sshll.u32 s0, $0xA;
	s2 =	sadd.s32 s3, s2  }
0x8d: {  	s2 =	sadd.s32 s2, s17  }
0x8e: {  	[smem:$0x3FC4] =	sst s2  }
0x8f: {  	_ = 	snop  }
0x90: {  	s2 =	sld [smem:$0x3FD0];
	(tm) =	ssettm $0x1  }
0x91: {  	s18 =	sld [smem:$0x3FFB];
	_ =	sdelay $0x3  }
0x92: {  	_ =	strace s18  }
0x93: {  	s3 =	sld [smem:$0x3FFC];
	_ =	sdelay $0x3  }
0x94: {  	_ =	strace s3  }
0x95: {  	s3 =	sld [smem:$0x3FFD];
	_ =	sdelay $0x3  }
0x96: {  	_ =	strace s3  }
0x97: {  	_ =	strace $0x8FFFFFFF  }
0x98: {  	s19 =	sld [smem:$0x3FDB];
	_ =	sdelay $0x1  }
0x99: {  	s4 =	simm.s32 $_scs_section_size  }
0x9a: {  	s5 =	simm.s32 $_size__tile_overlayer_lowered;
	s6 =	simm.s32 $_tile_overlayer_lowered  }
0x9b: {  	s22 =	simm.s32 $0x1BFF;
	s21 =	sshll.u32 s6, $0x1;
	s3 =	sadd.s32 s4, s19  }
0x9c: {  	s7 =	simm.s32 $0x0;
	s20 =	sshll.u32 s5, $0x1;
	s5 =	sadd.s32 s21, s3  }
0x9d: {  	[timem:s7], [sflag:s22] =	dma.local [hbm:s5], s20  }
0x9e: {  	_ =	swait.ge [sflag:s22], s20  }
0x9f: {  	s4 =	ssub.s32 $0x0, s20;
	[sflag:s22] =	ssyncset.done $0x0  }
0xa0: {  	[sflag:s22] =	ssyncadd.s32 s4;
	_ =	sdelay $0x1  }
0xa1: {  	s23 =	simm.s32 $0x1B8B  }
0xa2: {  	_ =	swait.ge [sflag:s23], $0x1  }
0xa3: {  	[sflag:s23] =	ssyncset.done $0x0  }
0xa4: {  	s25 =	simm.s32 $0x1B8E;
	s24 =	sld [smem:$0x3FFE];
	[sflag:s23] =	ssyncadd.s32 $0xFFFFFFFF  }
0xa5: {  	s26 =	simm.s32 $execute0_lowered;
	[smem:$0x3FD2] =	sst s25  }
0xa6: {  	s5 =	sshll.u32 s26, $0x1;
	_ =	strace $0x80000049;
	[dreg:$0x1] =	wrdreg $0xFFFFFFFF  }
0xa7: {  	s28 =	simm.s32 $_size_execute0_lowered;
	s3 =	sadd.s32 s3, s5;
	[dreg:$0x0] =	wrdreg $0x0  }
0xa8: {  	s5 =	sshll.u32 s28, $0x1;
	[dreg:$0x2] =	wrdreg s3  }
0xa9: {  	[dreg:$0x3] =	wrdreg s5  }
0xaa: {  	[dreg:$0x4] =	wrdreg $0xC0  }
0xab: {  	_ =	task [dreg:s7], $0x5FFFF  }
0xac: {  	[dreg:$0x1] =	wrdreg $0xFFFFFFFF  }
0xad: {  	[dreg:$0x0] =	wrdreg $0x60  }
0xae: {  	[dreg:$0x2] =	wrdreg s2  }
0xaf: {  	[dreg:$0x3] =	wrdreg s24  }
0xb0: {  	[dreg:$0x4] =	wrdreg $0xA8000  }
0xb1: {  	[dreg:$0x5] =	wrdreg $0x9  }
0xb2: {  	_ =	task.clear_ibuf [dreg:s7], $0x6FFFF;
	_ =	strace $0x90000049  }
0xb3: {  	s29 =	simm.s32 $0x9;
	_ =	strace $0x8000004B  }
0xb4: {  	_ =	swait.ge [sflag:s29], $0x1  }
0xb5: {  	[sflag:s29] =	ssyncadd.s32 $0xFFFFFFFF  }
0xb6: {  	_ =	strace $0x9000004B  }
0xb7: {  	_ =	sfence  }
0xb8: {  	s30 =	sld [smem:$0x0];
	_ =	sdelay $0x2  }
0xb9: {  	s31 =	sshll.u32 s1, $0xD;
	s1 =	sshrl.u32 s1, $0x2  }
0xba: {  	s3 =	sand.u32 $0x4000, s31;
	s1 =	sadd.s32 s1, s30  }
0xbb: {  	s0 =	sor.u32 s3, s0;
	s1 =	sshll.u32 s1, $0x11  }
0xbc: {  	s0 =	sor.u32 s1, s0  }
0xbd: {  	s0 =	sadd.s32 $0x8F2B, s0  }
0xbe: {  	[sflag:s0] =	ssyncadd.remote.s32 $0x1  }
0xbf: {  	_ =	sfence.sel $0xFFFF  }
0xc0: {  	[dreg:$0x0] =	wrdreg $0xFFFFFFFF;
	(pc) =	sbr.abs _section_cstart, $3  }
0xc1: {  	[dreg:$0x1] =	wrdreg $0xFFFFFFFF  }
0xc2: {  	_ =	task.clear_ibuf [dreg:s7], $0x2FFFF;
	_ =	strace $0x9FFFFFFF  }
0xc3: {  	(tm) =	ssettm $0x7FFFFFFF  }
tec
execute0_lowered:
.L_overlay_start_1:
0x0: {  	(tag) =	ssettag $0x1  }
0x1: {  	s1 =	rddreg [dreg:$0x0]  }
0x2: {  	s5 =	rddreg [dreg:$0x1]  }
0x3: {  	s2 =	rddreg [dreg:$0x2]  }
0x4: {  	s0 =	rddreg [dreg:$0x3];
	s4 =	simm.s32 $0x0  }
0x5: {  	s3 =	srdreg.scid;
	s16 =	simm.s32 $0x4;
	s17 =	simm.s32 $0x80  }
0x6: {  	s18 =	simm.s32 $0x6800;
	s19 =	simm.s32 $0x2;
	s20 =	simm.s32 $0x2700  }
0x7: {  	s21 =	simm.s32 $0x2780;
	s22 =	simm.s32 $0x5;
	s23 =	simm.s32 $0x0  }
0x8: {  	[smem:$0x7FF] =	sst s4;
	s6 =	sand.u32 $0x1, s3;
	s3 =	stileid.u32  }
0x9: {  	s10 =	sadd.s32 $0xB600, s5;
	s11 =	sadd.s32 $0x1600, s5;
	s7 =	smul.u32 $0x140000, s6  }
0xa: {  	s8 =	sshll.u32 s6, $0x4;
	_ =	strace $0x8000004A;
	s9 =	smul.u32 $0x14000, s3  }
0xb: {  	s6 =	ssub.s32 $0x2, s6;
	s13 =	smul.u32 $0x50000, s3;
	s8 =	sor.u32 s3, s8  }
0xc: {  	s28 =	sshrl.u32 s6, $0x1;
	s12 =	smul.u32 $0x500, s8;
	s7 =	sadd.s32 s9, s7  }
0xd: {  	s8 =	smul.u32 $0x2800, s8;
	s15 =	ssub.s32 s6, s28;
	s7 =	sshrl.u32 s7, $0x3  }
0xe: {  	s30 =	sshrl.u32 s13, $0x2;
	s13 =	simm.s32 $0x2800;
	s14 =	sadd.s32 s7, s5  }
0xf: {  	s29 =	sshrl.u32 s8, $0x3;
	s5 =	sadd.s32 s10, s12;
	s6 =	sadd.s32 s11, s12  }
0x10: {  	s7 =	sadd.s32 s30, s2;
	s12 =	simm.s32 $0x1400;
	s31 =	sadd.s32 $0x280, s29  }
0x11: {  	s8 =	sadd.s32 s10, s31;
	s9 =	sadd.s32 s11, s31;
	s10 =	sadd.s32 $0x15600, s14  }
0x12: {  	v0 =	vimm.f32 $0.0e+00;
	s11 =	smax.u32 s15, $0x1;
	s14 =	simm.s32 $0x1;
	s15 =	simm.s32 $0x3  }
.LBB2_1:
0x13: {  	[tilespmem:s4], [sflag:$0x3] =	stream.linear.gather [hbm4b:s5+s4], $0x1400, $0x38;
	[tilespmem:$0x1E800] =	vst v63  }
0x14: {  	s24 =	simm.s32 $0x0;
	s25 =	simm.s32 $0x200  }
0x15: {  	[tilespmem:s12], [sflag:$0x4] =	stream.linear.gather [hbm4b:s6+s4], $0x1400, $0x38;
	[tilespmem:$0x1E800] =	vst v63  }
.LBB2_2:
0x16: {  	p0 =	sne.s32 s25, $0x1E00;
	[tilespmem:s24+$0x2870] =	vst v0  }
0x17: {  	[tilespmem:s24+$0x2800] =	vst v0  }
0x18: {  	[tilespmem:s24+$0x2810] =	vst v0  }
.Ltmp0:
0x19: {  	[tilespmem:s24+$0x2820] =	vst v0;
	(pc) =	sbr.rel @p0 .LBB2_2-.Ltmp0, $4  }
0x1a: {  	[tilespmem:s24+$0x2830] =	vst v0  }
0x1b: {  	[tilespmem:s24+$0x2840] =	vst v0  }
0x1c: {  	[tilespmem:s24+$0x2850] =	vst v0  }
0x1d: {  	[tilespmem:s24+$0x2860] =	vst v0;
	s24 =	sshra.s32 s25, $0x2;
	s25 =	sadd.s32 $0x200, s25  }
0x1e: {  	[tilespmem:s24+$0x2870] =	vst v0  }
0x1f: {  	[tilespmem:s24+$0x2800] =	vst v0  }
0x20: {  	[tilespmem:s24+$0x2810] =	vst v0  }
0x21: {  	[tilespmem:s24+$0x2820] =	vst v0  }
0x22: {  	[tilespmem:s24+$0x2830] =	vst v0  }
0x23: {  	[tilespmem:s24+$0x2840] =	vst v0  }
0x24: {  	[tilespmem:s24+$0x2850] =	vst v0  }
0x25: {  	[tilespmem:s24+$0x2860] =	vst v0;
	s24 =	sadd.s32 $0x0, s7  }
0x26: {  	[spmem:s24] =	stream.linear.scatter [tilespmem:s13], [sflag:$0x1], $0x800, $0x38;
	[tilespmem:$0x1E800] =	vst v63  }
0x27: {  	s25 =	sadd.s32 $0x800, s24  }
0x28: {  	[spmem:s25] =	stream.linear.scatter [tilespmem:s13], [sflag:$0x1], $0x800, $0x38;
	[tilespmem:$0x1E800] =	vst v63  }
0x29: {  	s26 =	sadd.s32 $0x1000, s24  }
0x2a: {  	[spmem:s26] =	stream.linear.scatter [tilespmem:s13], [sflag:$0x1], $0x800, $0x38;
	[tilespmem:$0x1E800] =	vst v63  }
0x2b: {  	s28 =	sadd.s32 $0x1800, s24  }
0x2c: {  	[spmem:s28] =	stream.linear.scatter [tilespmem:s13], [sflag:$0x1], $0x800, $0x38;
	[tilespmem:$0x1E800] =	vst v63  }
0x2d: {  	s29 =	sadd.s32 $0x2000, s24  }
0x2e: {  	[spmem:s29] =	stream.linear.scatter [tilespmem:s13], [sflag:$0x1], $0x800, $0x38;
	[tilespmem:$0x1E800] =	vst v63  }
0x2f: {  	s30 =	sadd.s32 $0x2800, s24  }
0x30: {  	[spmem:s30] =	stream.linear.scatter [tilespmem:s13], [sflag:$0x1], $0x800, $0x38;
	[tilespmem:$0x1E800] =	vst v63  }
0x31: {  	s31 =	sadd.s32 $0x3000, s24  }
0x32: {  	[spmem:s31] =	stream.linear.scatter [tilespmem:s13], [sflag:$0x1], $0x800, $0x38;
	[tilespmem:$0x1E800] =	vst v63  }
0x33: {  	s24 =	sadd.s32 $0x3800, s24  }
0x34: {  	[spmem:s24] =	stream.linear.scatter [tilespmem:s13], [sflag:$0x1], $0x800, $0x38;
	[tilespmem:$0x1E800] =	vst v63  }
0x35: {  	_ =	swait.ge [sflag:s14], $0x800  }
0x36: {  	[sflag:s14] =	ssyncset.done $0x0  }
0x37: {  	[sflag:s14] =	ssyncadd.s32 $0xFFFFF800  }
0x38: {  	_ =	swait.ge [sflag:s14], $0x800  }
0x39: {  	[sflag:s14] =	ssyncset.done $0x0  }
0x3a: {  	[sflag:s14] =	ssyncadd.s32 $0xFFFFF800  }
0x3b: {  	_ =	swait.ge [sflag:s14], $0x800  }
0x3c: {  	[sflag:s14] =	ssyncset.done $0x0  }
0x3d: {  	[sflag:s14] =	ssyncadd.s32 $0xFFFFF800  }
0x3e: {  	_ =	swait.ge [sflag:s14], $0x800  }
0x3f: {  	[sflag:s14] =	ssyncset.done $0x0  }
0x40: {  	[sflag:s14] =	ssyncadd.s32 $0xFFFFF800  }
0x41: {  	_ =	swait.ge [sflag:s14], $0x800  }
0x42: {  	[sflag:s14] =	ssyncset.done $0x0  }
0x43: {  	[sflag:s14] =	ssyncadd.s32 $0xFFFFF800  }
0x44: {  	_ =	swait.ge [sflag:s14], $0x800  }
0x45: {  	[sflag:s14] =	ssyncset.done $0x0  }
0x46: {  	[sflag:s14] =	ssyncadd.s32 $0xFFFFF800  }
0x47: {  	_ =	swait.ge [sflag:s14], $0x800  }
0x48: {  	[sflag:s14] =	ssyncset.done $0x0  }
0x49: {  	[sflag:s14] =	ssyncadd.s32 $0xFFFFF800  }
0x4a: {  	_ =	swait.ge [sflag:s14], $0x800  }
0x4b: {  	s25 =	simm.s32 $0x4000;
	s26 =	simm.s32 $0x20000;
	[sflag:s14] =	ssyncset.done $0x0  }
.LBB2_4:
0x4c: {  	s28 =	sadd.s32 s25, s7  }
0x4d: {  	[sflag:s14] =	ssyncadd.s32 $0xFFFFF800;
	s25 =	smov.u32 s26;
	s24 =	sadd.s32 $0x10000, s26  }
0x4e: {  	[spmem:s28] =	stream.linear.scatter [tilespmem:s13], [sflag:$0x1], $0x800, $0x38;
	[tilespmem:$0x1E800] =	vst v63  }
0x4f: {  	p0 =	sne.s32 s26, $0x40000;
	s26 =	sadd.s32 $0x800, s28  }
0x50: {  	[spmem:s26] =	stream.linear.scatter [tilespmem:s13], [sflag:$0x1], $0x800, $0x38;
	[tilespmem:$0x1E800] =	vst v63  }
0x51: {  	s26 =	sadd.s32 $0x1000, s28  }
0x52: {  	[spmem:s26] =	stream.linear.scatter [tilespmem:s13], [sflag:$0x1], $0x800, $0x38;
	[tilespmem:$0x1E800] =	vst v63  }
0x53: {  	s26 =	sadd.s32 $0x1800, s28  }
0x54: {  	[spmem:s26] =	stream.linear.scatter [tilespmem:s13], [sflag:$0x1], $0x800, $0x38;
	[tilespmem:$0x1E800] =	vst v63  }
0x55: {  	s26 =	sadd.s32 $0x2000, s28  }
0x56: {  	[spmem:s26] =	stream.linear.scatter [tilespmem:s13], [sflag:$0x1], $0x800, $0x38;
	[tilespmem:$0x1E800] =	vst v63  }
0x57: {  	s26 =	sadd.s32 $0x2800, s28  }
0x58: {  	[spmem:s26] =	stream.linear.scatter [tilespmem:s13], [sflag:$0x1], $0x800, $0x38;
	[tilespmem:$0x1E800] =	vst v63  }
0x59: {  	s26 =	sadd.s32 $0x3000, s28  }
0x5a: {  	[spmem:s26] =	stream.linear.scatter [tilespmem:s13], [sflag:$0x1], $0x800, $0x38;
	[tilespmem:$0x1E800] =	vst v63  }
0x5b: {  	s26 =	sadd.s32 $0x3800, s28  }
0x5c: {  	[spmem:s26] =	stream.linear.scatter [tilespmem:s13], [sflag:$0x1], $0x800, $0x38;
	[tilespmem:$0x1E800] =	vst v63  }
0x5d: {  	_ =	swait.ge [sflag:s14], $0x800  }
0x5e: {  	[sflag:s14] =	ssyncset.done $0x0  }
0x5f: {  	[sflag:s14] =	ssyncadd.s32 $0xFFFFF800  }
0x60: {  	_ =	swait.ge [sflag:s14], $0x800  }
0x61: {  	[sflag:s14] =	ssyncset.done $0x0  }
0x62: {  	[sflag:s14] =	ssyncadd.s32 $0xFFFFF800  }
0x63: {  	_ =	swait.ge [sflag:s14], $0x800  }
0x64: {  	[sflag:s14] =	ssyncset.done $0x0  }
0x65: {  	[sflag:s14] =	ssyncadd.s32 $0xFFFFF800  }
0x66: {  	_ =	swait.ge [sflag:s14], $0x800  }
0x67: {  	[sflag:s14] =	ssyncset.done $0x0  }
0x68: {  	[sflag:s14] =	ssyncadd.s32 $0xFFFFF800  }
0x69: {  	_ =	swait.ge [sflag:s14], $0x800  }
0x6a: {  	[sflag:s14] =	ssyncset.done $0x0  }
0x6b: {  	[sflag:s14] =	ssyncadd.s32 $0xFFFFF800  }
0x6c: {  	_ =	swait.ge [sflag:s14], $0x800  }
0x6d: {  	[sflag:s14] =	ssyncset.done $0x0  }
0x6e: {  	[sflag:s14] =	ssyncadd.s32 $0xFFFFF800  }
.Ltmp1:
0x6f: {  	_ =	swait.ge [sflag:s14], $0x800;
	(pc) =	sbr.rel @p0 .LBB2_4-.Ltmp1, $4  }
0x70: {  	[sflag:s14] =	ssyncset.done $0x0  }
0x71: {  	[sflag:s14] =	ssyncadd.s32 $0xFFFFF800  }
0x72: {  	_ =	swait.ge [sflag:s14], $0x800  }
0x73: {  	s25 =	sshra.s32 s25, $0x2;
	s26 =	smov.u32 s24;
	[sflag:s14] =	ssyncset.done $0x0  }
0x74: {  	s24 =	sadd.s32 s25, s7;
	[sflag:s14] =	ssyncadd.s32 $0xFFFFF800  }
0x75: {  	[spmem:s24] =	stream.linear.scatter [tilespmem:s13], [sflag:$0x1], $0x800, $0x38;
	[tilespmem:$0x1E800] =	vst v63  }
0x76: {  	s25 =	sadd.s32 $0x800, s24  }
0x77: {  	[spmem:s25] =	stream.linear.scatter [tilespmem:s13], [sflag:$0x1], $0x800, $0x38;
	[tilespmem:$0x1E800] =	vst v63  }
0x78: {  	s28 =	sadd.s32 $0x1000, s24  }
0x79: {  	[spmem:s28] =	stream.linear.scatter [tilespmem:s13], [sflag:$0x1], $0x800, $0x38;
	[tilespmem:$0x1E800] =	vst v63  }
0x7a: {  	s29 =	sadd.s32 $0x1800, s24  }
0x7b: {  	[spmem:s29] =	stream.linear.scatter [tilespmem:s13], [sflag:$0x1], $0x800, $0x38;
	[tilespmem:$0x1E800] =	vst v63  }
0x7c: {  	s30 =	sadd.s32 $0x2000, s24  }
0x7d: {  	[spmem:s30] =	stream.linear.scatter [tilespmem:s13], [sflag:$0x1], $0x800, $0x38;
	[tilespmem:$0x1E800] =	vst v63  }
0x7e: {  	s31 =	sadd.s32 $0x2800, s24  }
0x7f: {  	[spmem:s31] =	stream.linear.scatter [tilespmem:s13], [sflag:$0x1], $0x800, $0x38;
	[tilespmem:$0x1E800] =	vst v63  }
0x80: {  	s26 =	sadd.s32 $0x3000, s24  }
0x81: {  	[spmem:s26] =	stream.linear.scatter [tilespmem:s13], [sflag:$0x1], $0x800, $0x38;
	[tilespmem:$0x1E800] =	vst v63  }
0x82: {  	s24 =	sadd.s32 $0x3800, s24  }
0x83: {  	[spmem:s24] =	stream.linear.scatter [tilespmem:s13], [sflag:$0x1], $0x800, $0x38;
	[tilespmem:$0x1E800] =	vst v63  }
0x84: {  	_ =	swait.ge [sflag:s14], $0x800  }
0x85: {  	[sflag:s14] =	ssyncset.done $0x0  }
0x86: {  	[sflag:s14] =	ssyncadd.s32 $0xFFFFF800  }
0x87: {  	_ =	swait.ge [sflag:s14], $0x800  }
0x88: {  	[sflag:s14] =	ssyncset.done $0x0  }
0x89: {  	[sflag:s14] =	ssyncadd.s32 $0xFFFFF800  }
0x8a: {  	_ =	swait.ge [sflag:s14], $0x800  }
0x8b: {  	[sflag:s14] =	ssyncset.done $0x0  }
0x8c: {  	[sflag:s14] =	ssyncadd.s32 $0xFFFFF800  }
0x8d: {  	_ =	swait.ge [sflag:s14], $0x800  }
0x8e: {  	[sflag:s14] =	ssyncset.done $0x0  }
0x8f: {  	[sflag:s14] =	ssyncadd.s32 $0xFFFFF800  }
0x90: {  	_ =	swait.ge [sflag:s14], $0x800  }
0x91: {  	[sflag:s14] =	ssyncset.done $0x0  }
0x92: {  	[sflag:s14] =	ssyncadd.s32 $0xFFFFF800  }
0x93: {  	_ =	swait.ge [sflag:s14], $0x800  }
0x94: {  	[sflag:s14] =	ssyncset.done $0x0  }
0x95: {  	[sflag:s14] =	ssyncadd.s32 $0xFFFFF800  }
0x96: {  	_ =	swait.ge [sflag:s14], $0x800  }
0x97: {  	[sflag:s14] =	ssyncset.done $0x0  }
0x98: {  	[sflag:s14] =	ssyncadd.s32 $0xFFFFF800  }
0x99: {  	_ =	swait.ge [sflag:s14], $0x800  }
0x9a: {  	[sflag:s14] =	ssyncset.done $0x0  }
0x9b: {  	[sflag:s14] =	ssyncadd.s32 $0xFFFFF800  }
0x9c: {  	[bflag:$0x0] =	sbarrier.arrive $0xFFFF  }
0x9d: {  	_ =	swait.ge [sflag:s15], $0x1400  }
0x9e: {  	[sflag:s15] =	ssyncset.done $0x0  }
0x9f: {  	[sflag:s15] =	ssyncadd.s32 $0xFFFFEC00  }
0xa0: {  	_ =	swait.ge [sflag:s16], $0x1400  }
0xa1: {  	[sflag:s16] =	ssyncset.done $0x0  }
0xa2: {  	s28 =	simm.s32 $0x0;
	[sflag:s16] =	ssyncadd.s32 $0xFFFFEC00  }
0xa3: {  	[tilespmem:s13], [sflag:$0x1] =	stream.indirect.gather [hbm4b:s1+s17], $0x80, s28, s17, $0xb8;
	[tilespmem:$0x1E800] =	vst v63  }
0xa4: {  	_ = 	snop  }
0xa5: {  	[tilespmem:s18], [sflag:$0x2] =	stream.indirect.gather [hbm4b:s1+s17], $0x80, s17, s17, $0xb8;
	[tilespmem:$0x1E800] =	vst v63  }
0xa6: {  	_ =	swait.ge [sflag:s14], $0x4000  }
0xa7: {  	[sflag:s14] =	ssyncset.done $0x0  }
0xa8: {  	s29 =	simm.s32 $0x1400;
	[sflag:s14] =	ssyncadd.s32 $0xFFFFC000  }
0xa9: {  	[spmem:s2] =	stream.indirect.scatter.add.f32 [tilespmem:s13], [sflag:$0x3], $0x80, s29, s17, $0xb8;
	[tilespmem:$0x1E800] =	vst v63  }
0xaa: {  	_ =	swait.ge [sflag:s19], $0x4000  }
0xab: {  	[sflag:s19] =	ssyncset.done $0x0  }
0xac: {  	s30 =	simm.s32 $0x1480;
	[sflag:s19] =	ssyncadd.s32 $0xFFFFC000  }
0xad: {  	[spmem:s2] =	stream.indirect.scatter.add.f32 [tilespmem:s18], [sflag:$0x4], $0x80, s30, s17, $0xb8;
	[tilespmem:$0x1E800] =	vst v63  }
0xae: {  	_ =	swait.ge [sflag:s15], $0x4000  }
0xaf: {  	[sflag:s15] =	ssyncset.done $0x0  }
0xb0: {  	s31 =	simm.s32 $0x100;
	[sflag:s15] =	ssyncadd.s32 $0xFFFFC000  }
0xb1: {  	[tilespmem:s13], [sflag:$0x1] =	stream.indirect.gather [hbm4b:s1+s17], $0x80, s31, s17, $0xb8;
	[tilespmem:$0x1E800] =	vst v63  }
0xb2: {  	_ =	swait.ge [sflag:s16], $0x4000  }
0xb3: {  	[sflag:s16] =	ssyncset.done $0x0  }
0xb4: {  	s25 =	simm.s32 $0x180;
	s24 =	simm.s32 $0x400;
	[sflag:s16] =	ssyncadd.s32 $0xFFFFC000  }
.LBB2_6:
0xb5: {  	[tilespmem:s18], [sflag:$0x2] =	stream.indirect.gather [hbm4b:s1+s17], $0x80, s25, s17, $0xb8;
	[tilespmem:$0x1E800] =	vst v63  }
0xb6: {  	s25 =	smov.u32 s24  }
0xb7: {  	p0 =	sne.s32 s24, $0x4800;
	s24 =	sadd.s32 $0x400, s24;
	_ =	swait.ge [sflag:s14], $0x4000  }
0xb8: {  	s25 =	sshra.s32 s25, $0x2;
	[sflag:s14] =	ssyncset.done $0x0  }
0xb9: {  	s26 =	sadd.s32 $0x1400, s25;
	[sflag:s14] =	ssyncadd.s32 $0xFFFFC000  }
0xba: {  	[spmem:s2] =	stream.indirect.scatter.add.f32 [tilespmem:s13], [sflag:$0x3], $0x80, s26, s17, $0xb8;
	[tilespmem:$0x1E800] =	vst v63  }
0xbb: {  	_ =	swait.ge [sflag:s19], $0x4000  }
0xbc: {  	[sflag:s19] =	ssyncset.done $0x0  }
0xbd: {  	s26 =	sadd.s32 $0x1480, s25;
	[sflag:s19] =	ssyncadd.s32 $0xFFFFC000  }
0xbe: {  	[spmem:s2] =	stream.indirect.scatter.add.f32 [tilespmem:s18], [sflag:$0x4], $0x80, s26, s17, $0xb8;
	[tilespmem:$0x1E800] =	vst v63  }
0xbf: {  	_ =	swait.ge [sflag:s15], $0x4000  }
0xc0: {  	[sflag:s15] =	ssyncset.done $0x0  }
.Ltmp2:
0xc1: {  	s26 =	sadd.s32 $0x100, s25;
	[sflag:s15] =	ssyncadd.s32 $0xFFFFC000;
	(pc) =	sbr.rel @p0 .LBB2_6-.Ltmp2, $4  }
0xc2: {  	[tilespmem:s13], [sflag:$0x1] =	stream.indirect.gather [hbm4b:s1+s17], $0x80, s26, s17, $0xb8;
	[tilespmem:$0x1E800] =	vst v63  }
0xc3: {  	_ =	swait.ge [sflag:s16], $0x4000  }
0xc4: {  	[sflag:s16] =	ssyncset.done $0x0  }
0xc5: {  	s25 =	sadd.s32 $0x180, s25;
	[sflag:s16] =	ssyncadd.s32 $0xFFFFC000  }
0xc6: {  	[tilespmem:s18], [sflag:$0x2] =	stream.indirect.gather [hbm4b:s1+s17], $0x80, s25, s17, $0xb8;
	[tilespmem:$0x1E800] =	vst v63  }
0xc7: {  	_ =	swait.ge [sflag:s14], $0x4000  }
0xc8: {  	[sflag:s14] =	ssyncset.done $0x0  }
0xc9: {  	[sflag:s14] =	ssyncadd.s32 $0xFFFFC000  }
0xca: {  	[spmem:s2] =	stream.indirect.scatter.add.f32 [tilespmem:s13], [sflag:$0x3], $0x80, s20, s17, $0xb8;
	[tilespmem:$0x1E800] =	vst v63  }
0xcb: {  	_ =	swait.ge [sflag:s19], $0x4000  }
0xcc: {  	[sflag:s19] =	ssyncset.done $0x0  }
0xcd: {  	[sflag:s19] =	ssyncadd.s32 $0xFFFFC000  }
0xce: {  	[spmem:s2] =	stream.indirect.scatter.add.f32 [tilespmem:s18], [sflag:$0x4], $0x80, s21, s17, $0xb8;
	[tilespmem:$0x1E800] =	vst v63  }
0xcf: {  	_ =	swait.ge [sflag:s15], $0x4000  }
0xd0: {  	[sflag:s15] =	ssyncset.done $0x0  }
0xd1: {  	[sflag:s15] =	ssyncadd.s32 $0xFFFFC000  }
0xd2: {  	_ =	swait.ge [sflag:s16], $0x4000  }
0xd3: {  	[sflag:s16] =	ssyncset.done $0x0  }
0xd4: {  	s24 =	simm.s32 $0x0;
	[sflag:s16] =	ssyncadd.s32 $0xFFFFC000  }
0xd5: {  	[tilespmem:s24], [sflag:$0x5] =	stream.linear.gather [hbm4b:s8+s24], $0x1400, $0x38;
	[tilespmem:$0x1E800] =	vst v63  }
0xd6: {  	_ =	swait.ge [sflag:s22], $0x1400  }
0xd7: {  	[sflag:s22] =	ssyncset.done $0x0  }
0xd8: {  	[sflag:s22] =	ssyncadd.s32 $0xFFFFEC00  }
0xd9: {  	[tilespmem:s12], [sflag:$0x5] =	stream.linear.gather [hbm4b:s9+s24], $0x1400, $0x38;
	[tilespmem:$0x1E800] =	vst v63  }
0xda: {  	_ =	swait.ge [sflag:s22], $0x1400  }
0xdb: {  	[sflag:s22] =	ssyncset.done $0x0  }
0xdc: {  	[sflag:s22] =	ssyncadd.s32 $0xFFFFEC00  }
0xdd: {  	[tilespmem:s13], [sflag:$0x1] =	stream.indirect.gather [hbm4b:s1+s17], $0x80, s24, s17, $0xb8;
	[tilespmem:$0x1E800] =	vst v63  }
0xde: {  	_ = 	snop  }
0xdf: {  	[tilespmem:s18], [sflag:$0x2] =	stream.indirect.gather [hbm4b:s1+s17], $0x80, s17, s17, $0xb8;
	[tilespmem:$0x1E800] =	vst v63  }
0xe0: {  	_ =	swait.ge [sflag:s14], $0x4000  }
0xe1: {  	[sflag:s14] =	ssyncset.done $0x0  }
0xe2: {  	s29 =	simm.s32 $0x1400;
	[sflag:s14] =	ssyncadd.s32 $0xFFFFC000  }
0xe3: {  	[spmem:s2] =	stream.indirect.scatter.add.f32 [tilespmem:s13], [sflag:$0x3], $0x80, s29, s17, $0xb8;
	[tilespmem:$0x1E800] =	vst v63  }
0xe4: {  	_ =	swait.ge [sflag:s19], $0x4000  }
0xe5: {  	[sflag:s19] =	ssyncset.done $0x0  }
0xe6: {  	s30 =	simm.s32 $0x1480;
	[sflag:s19] =	ssyncadd.s32 $0xFFFFC000  }
0xe7: {  	[spmem:s2] =	stream.indirect.scatter.add.f32 [tilespmem:s18], [sflag:$0x4], $0x80, s30, s17, $0xb8;
	[tilespmem:$0x1E800] =	vst v63  }
0xe8: {  	_ =	swait.ge [sflag:s15], $0x4000  }
0xe9: {  	[sflag:s15] =	ssyncset.done $0x0  }
0xea: {  	s31 =	simm.s32 $0x100;
	[sflag:s15] =	ssyncadd.s32 $0xFFFFC000  }
0xeb: {  	[tilespmem:s13], [sflag:$0x1] =	stream.indirect.gather [hbm4b:s1+s17], $0x80, s31, s17, $0xb8;
	[tilespmem:$0x1E800] =	vst v63  }
0xec: {  	_ =	swait.ge [sflag:s16], $0x4000  }
0xed: {  	[sflag:s16] =	ssyncset.done $0x0  }
0xee: {  	s25 =	simm.s32 $0x180;
	s24 =	simm.s32 $0x400;
	[sflag:s16] =	ssyncadd.s32 $0xFFFFC000  }
.LBB2_8:
0xef: {  	[tilespmem:s18], [sflag:$0x2] =	stream.indirect.gather [hbm4b:s1+s17], $0x80, s25, s17, $0xb8;
	[tilespmem:$0x1E800] =	vst v63  }
0xf0: {  	s25 =	smov.u32 s24  }
0xf1: {  	p0 =	sne.s32 s24, $0x4800;
	s24 =	sadd.s32 $0x400, s24;
	_ =	swait.ge [sflag:s14], $0x4000  }
0xf2: {  	s25 =	sshra.s32 s25, $0x2;
	[sflag:s14] =	ssyncset.done $0x0  }
0xf3: {  	s26 =	sadd.s32 $0x1400, s25;
	[sflag:s14] =	ssyncadd.s32 $0xFFFFC000  }
0xf4: {  	[spmem:s2] =	stream.indirect.scatter.add.f32 [tilespmem:s13], [sflag:$0x3], $0x80, s26, s17, $0xb8;
	[tilespmem:$0x1E800] =	vst v63  }
0xf5: {  	_ =	swait.ge [sflag:s19], $0x4000  }
0xf6: {  	[sflag:s19] =	ssyncset.done $0x0  }
0xf7: {  	s26 =	sadd.s32 $0x1480, s25;
	[sflag:s19] =	ssyncadd.s32 $0xFFFFC000  }
0xf8: {  	[spmem:s2] =	stream.indirect.scatter.add.f32 [tilespmem:s18], [sflag:$0x4], $0x80, s26, s17, $0xb8;
	[tilespmem:$0x1E800] =	vst v63  }
0xf9: {  	_ =	swait.ge [sflag:s15], $0x4000  }
0xfa: {  	[sflag:s15] =	ssyncset.done $0x0  }
.Ltmp3:
0xfb: {  	s26 =	sadd.s32 $0x100, s25;
	[sflag:s15] =	ssyncadd.s32 $0xFFFFC000;
	(pc) =	sbr.rel @p0 .LBB2_8-.Ltmp3, $4  }
0xfc: {  	[tilespmem:s13], [sflag:$0x1] =	stream.indirect.gather [hbm4b:s1+s17], $0x80, s26, s17, $0xb8;
	[tilespmem:$0x1E800] =	vst v63  }
0xfd: {  	_ =	swait.ge [sflag:s16], $0x4000  }
0xfe: {  	[sflag:s16] =	ssyncset.done $0x0  }
0xff: {  	s25 =	sadd.s32 $0x180, s25;
	[sflag:s16] =	ssyncadd.s32 $0xFFFFC000  }
0x100: {  	[tilespmem:s18], [sflag:$0x2] =	stream.indirect.gather [hbm4b:s1+s17], $0x80, s25, s17, $0xb8;
	[tilespmem:$0x1E800] =	vst v63  }
0x101: {  	_ =	swait.ge [sflag:s14], $0x4000  }
0x102: {  	[sflag:s14] =	ssyncset.done $0x0  }
0x103: {  	[sflag:s14] =	ssyncadd.s32 $0xFFFFC000  }
0x104: {  	[spmem:s2] =	stream.indirect.scatter.add.f32 [tilespmem:s13], [sflag:$0x3], $0x80, s20, s17, $0xb8;
	[tilespmem:$0x1E800] =	vst v63  }
0x105: {  	_ =	swait.ge [sflag:s19], $0x4000  }
0x106: {  	[sflag:s19] =	ssyncset.done $0x0  }
0x107: {  	[sflag:s19] =	ssyncadd.s32 $0xFFFFC000  }
0x108: {  	[spmem:s2] =	stream.indirect.scatter.add.f32 [tilespmem:s18], [sflag:$0x4], $0x80, s21, s17, $0xb8;
	[tilespmem:$0x1E800] =	vst v63  }
0x109: {  	_ =	swait.ge [sflag:s15], $0x4000  }
0x10a: {  	[sflag:s15] =	ssyncset.done $0x0  }
0x10b: {  	[sflag:s15] =	ssyncadd.s32 $0xFFFFC000  }
0x10c: {  	_ =	swait.ge [sflag:s16], $0x4000  }
0x10d: {  	s24 =	sshll.u32 s3, $0x6;
	s23 =	sadd.s32 $0x1, s23;
	[sflag:s16] =	ssyncset.done $0x0  }
0x10e: {  	s31 =	sshrl.u32 s7, $0x3;
	p0 =	sne.s32 s23, s11;
	[sflag:s16] =	ssyncadd.s32 $0xFFFFC000  }
.Ltmp4:
0x10f: {  	s24 =	sor.u32 $0x1C05, s24;
	[bflag:$0x0] =	sbarrier.arrive $0xFFFF;
	(pc) =	sbr.rel @p0 .LBB2_1-.Ltmp4, $4  }
0x110: {  	[hbm:s10], [sflag:s24] =	dma.local [spmem:s31], $0x2800  }
0x111: {  	_ =	swait.ge [sflag:s22], $0x2800  }
0x112: {  	[sflag:s22] =	ssyncset.done $0x0  }
0x113: {  	[sflag:s22] =	ssyncadd.s32 $0xFFFFD800  }
0x114: {  	_ =	sfence.sel $0x180000  }
0x115: {  	[bflag:$0x0] =	sbarrier.arrive $0xFFFF  }
0x116: {  	p0 =	sne.s32 s3, $0x0;
	_ =	strace $0x9000004A  }
0x117: {  	s0 =	sadd.s32 @!p0 $0x100000, s0;
	[bflag:$0x2] =	sbarrier.arrive $0xFFFF  }
0x118: {  	[sflag:s0] =	ssyncadd.tile.s32 @!p0 $0x1;
	_ =	shalt  }
.Lfunc_end2:
_tile_overlayer_lowered:
.L_overlay_start_2:
0x119: {  	(tag) =	ssettag $0x2  }
0x11a: {  	s0 =	rddreg [dreg:$0x0];
	s2 =	stileid.u32  }
0x11b: {  	s1 =	rddreg [dreg:$0x1];
	p0 =	sne.s32 s2, $0x0  }
0x11c: {  	s3 =	rddreg [dreg:$0x2];
	[bflag:$0x3] =	sbarrier.arrive $0xFFFF;
	s2 =	simm.s32 @!p0 $0x1C05  }
0x11d: {  	[timem:s3], [sflag:s2] =	dma.local @!p0 [hbm:s0], s1  }
0x11e: {  	s0 =	simm.s32 @!p0 $0x5  }
0x11f: {  	_ =	swait.ge @!p0 [sflag:s0], s1  }
0x120: {  	s1 =	ssub.s32 @!p0 $0x0, s1;
	[sflag:s0] =	ssyncset.done @!p0 $0x0  }
0x121: {  	[sflag:s0] =	ssyncadd.s32 @!p0 s1  }
0x122: {  	[bflag:$0x3] =	sbarrier.arrive $0xFFFF  }
0x123: {  	_ =	shalt  }

</sc_bundles>
